<compile_context>
chip_gen: v7x
topology: tpu7x:2x2x1
jax: 0.10.2.dev20260603
libtpu: 0.0.44.dev20260713+nightly
codegen_flags: <defaults>
</compile_context>

<pallas_src>
import jax
import jax.numpy as jnp
from jax import lax
from jax.experimental import pallas as pl
from jax.experimental.pallas import tpu as pltpu
from jax.experimental.pallas import tpu_sc as plsc

N = 100000
NW = 32
CHUNK = 3136
LAST = N - (NW - 1) * CHUNK
NZ = 119
TAB = 128
L = 16


def _rsqrt16(s):
    y = jnp.where(s < jnp.float32(0.45), jnp.float32(1.8),
                  jnp.where(s < jnp.float32(1.8), jnp.float32(1.0),
                            jnp.float32(0.45)))
    for _ in range(6):
        y = y * (jnp.float32(1.5) - jnp.float32(0.5) * s * y * y)
    return y


def _scale_body(x_hbm, z_hbm, tab_hbm, out_hbm,
                x_v, z_v, tab_v, rs_v, o_v, sem_z, sem_x, sem_t):
    cid = lax.axis_index("c")
    sid = lax.axis_index("s")
    wid = sid * 2 + cid
    base = jnp.minimum(wid * CHUNK, N - CHUNK)

    cz = pltpu.make_async_copy(z_hbm.at[pl.ds(base, CHUNK)], z_v, sem_z)
    cx = pltpu.make_async_copy(x_hbm.at[pl.ds(base, CHUNK)], x_v, sem_x)
    ct = pltpu.make_async_copy(tab_hbm, tab_v.at[pl.ds(0, NZ)], sem_t)
    cz.start()
    cx.start()
    ct.start()

    ct.wait()
    for j in range(TAB // L):
        rs_v[pl.ds(j * L, L)] = _rsqrt16(tab_v[pl.ds(j * L, L)])

    cz.wait()
    cx.wait()

    @plsc.parallel_loop(0, CHUNK, step=L, unroll=8)
    def _body(i):
        idx = z_v[pl.ds(i, L)]
        g = plsc.load_gather(rs_v, [idx])
        o_v[pl.ds(i, L)] = x_v[pl.ds(i, L)] * g

    pltpu.sync_copy(o_v, out_hbm.at[pl.ds(base, CHUNK)])


@jax.jit
def kernel(x, atomic_numbers, scales):
    z = atomic_numbers.astype(jnp.int32)
    tab = jnp.reshape(scales, (NZ,))
    run = pl.kernel(
        _scale_body,
        mesh=plsc.VectorSubcoreMesh(core_axis_name="c", subcore_axis_name="s"),
        out_type=jax.ShapeDtypeStruct((N,), jnp.float32),
        compiler_params=pltpu.CompilerParams(needs_layout_passes=False),
        scratch_types=[
            pltpu.VMEM((CHUNK,), jnp.float32),
            pltpu.VMEM((CHUNK,), jnp.int32),
            pltpu.VMEM((TAB,), jnp.float32),
            pltpu.VMEM((TAB,), jnp.float32),
            pltpu.VMEM((CHUNK,), jnp.float32),
            pltpu.SemaphoreType.DMA,
            pltpu.SemaphoreType.DMA,
            pltpu.SemaphoreType.DMA,
        ],
    )
    return run(x, z, tab)

# --- scband reference (transcript-rebuilt; emitter-appended) ---
"""Pipeline reference for scband-per-atom-scale-41162966565483 (READ-ONLY COPY).

The authoritative reference and input builder live on the scoring server;
editing this copy changes nothing except your own understanding.
"""

import jax, jax.numpy as jnp
import numpy as np

N_ATOMS = 100000
MAX_Z = 119


def setup_inputs(seed: int = 0) -> dict:
    key = jax.random.key(seed)
    k1, k2, k3 = jax.random.split(key, 3)
    x = jax.random.normal(k1, (N_ATOMS,), dtype=jnp.float32)
    atomic_numbers = jax.random.randint(k2, (N_ATOMS,), 0, MAX_Z, dtype=jnp.int64 if jax.config.jax_enable_x64 else jnp.int32)
    # per-species scales (PerSpeciesParameter.of_dim(dim=1)); must be positive since sqrt is taken
    scales = jax.random.uniform(k3, (MAX_Z, 1), minval=0.5, maxval=2.0, dtype=jnp.float32)
    return {"x": x, "atomic_numbers": atomic_numbers, "scales": scales}


def reference(x, atomic_numbers, scales):
    # scales = self.scales[graph['atomic_numbers']].squeeze()
    s = jnp.take(scales, atomic_numbers, axis=0)  # [N, 1] gather (embedding lookup)
    s = jnp.squeeze(s, axis=-1)                   # [N]
    # x is a local (per-atom) property: left_aligned_div(x, scales ** 0.5)
    s_sqrt = jnp.sqrt(s)
    # left-aligned broadcast: divide along leading (atom) dim
    s_sqrt = s_sqrt.reshape(s_sqrt.shape + (1,) * (x.ndim - 1))
    return x / s_sqrt

if __name__ == "__main__":
    import jax
    _d = setup_inputs()
    print(jax.jit(kernel)(*tuple(_d.values())))

</pallas_src>

<mosaic_0001>
#map = affine_map<(d0, d1) -> (0)>
module attributes {stable_mosaic.version = 14 : i64} {
  func.func @_scale_body(%arg0: i32, %arg1: i32, %arg2: memref<100000xf32, #tpu.memory_space<hbm>>, %arg3: memref<100000xi32, #tpu.memory_space<hbm>>, %arg4: memref<119xf32, #tpu.memory_space<hbm>>, %arg5: memref<100000xf32, #tpu.memory_space<hbm>>, %arg6: memref<3136xf32, #tpu.memory_space<vmem>>, %arg7: memref<3136xi32, #tpu.memory_space<vmem>>, %arg8: memref<128xf32, #tpu.memory_space<vmem>>, %arg9: memref<128xf32, #tpu.memory_space<vmem>>, %arg10: memref<3136xf32, #tpu.memory_space<vmem>>, %arg11: memref<!tpu.dma_semaphore, #tpu.memory_space<semaphore_mem>>, %arg12: memref<!tpu.dma_semaphore, #tpu.memory_space<semaphore_mem>>, %arg13: memref<!tpu.dma_semaphore, #tpu.memory_space<semaphore_mem>>) attributes {dimension_semantics = [#tpu.dimension_semantics<core_parallel>, #tpu.dimension_semantics<subcore_parallel>], iteration_bounds = array<i64: 2, 16>, scalar_prefetch = 0 : i64, scratch_operands = 8 : i64, tpu.core_type = #tpu.core_type<sc_vector_subcore>, window_params = [{transform_indices = #map}, {transform_indices = #map}, {transform_indices = #map}, {transform_indices = #map}]} {
    %mul3A = arith.constant 2 : i32
    %mul3A_0 = arith.muli %arg1, %mul3A : i32
    %add3A = arith.addi %mul3A_0, %arg0 : i32
    %mul3A_1 = arith.constant 3136 : i32
    %mul3A_2 = arith.muli %add3A, %mul3A_1 : i32
    %min3A = arith.constant 96864 : i32
    %min3A_3 = arith.minsi %mul3A_2, %min3A : i32
    %dma_start3A = tpu.memref_slice %arg3[%min3A_3] : memref<100000xi32, #tpu.memory_space<hbm>> -> memref<3136xi32, #tpu.memory_space<hbm>>
    %dma_start3A_4 = tpu.memref_slice %arg3[%min3A_3] : memref<100000xi32, #tpu.memory_space<hbm>> -> memref<3136xi32, #tpu.memory_space<hbm>>
    tpu.enqueue_dma source(%dma_start3A_4 : memref<3136xi32, #tpu.memory_space<hbm>>) target(%arg7 : memref<3136xi32, #tpu.memory_space<vmem>>) target_semaphore(%arg11 : memref<!tpu.dma_semaphore, #tpu.memory_space<semaphore_mem>>)
    %dma_start3A_5 = tpu.memref_slice %arg2[%min3A_3] : memref<100000xf32, #tpu.memory_space<hbm>> -> memref<3136xf32, #tpu.memory_space<hbm>>
    %dma_start3A_6 = tpu.memref_slice %arg2[%min3A_3] : memref<100000xf32, #tpu.memory_space<hbm>> -> memref<3136xf32, #tpu.memory_space<hbm>>
    tpu.enqueue_dma source(%dma_start3A_6 : memref<3136xf32, #tpu.memory_space<hbm>>) target(%arg6 : memref<3136xf32, #tpu.memory_space<vmem>>) target_semaphore(%arg12 : memref<!tpu.dma_semaphore, #tpu.memory_space<semaphore_mem>>)
    %dma_start3A_7 = arith.constant 0 : i32
    %dma_start3A_8 = tpu.memref_slice %arg8[%dma_start3A_7] : memref<128xf32, #tpu.memory_space<vmem>> -> memref<119xf32, #tpu.memory_space<vmem>>
    %dma_start3A_9 = arith.constant 0 : i32
    %dma_start3A_10 = tpu.memref_slice %arg8[%dma_start3A_9] : memref<128xf32, #tpu.memory_space<vmem>> -> memref<119xf32, #tpu.memory_space<vmem>>
    tpu.enqueue_dma source(%arg4 : memref<119xf32, #tpu.memory_space<hbm>>) target(%dma_start3A_10 : memref<119xf32, #tpu.memory_space<vmem>>) target_semaphore(%arg13 : memref<!tpu.dma_semaphore, #tpu.memory_space<semaphore_mem>>)
    %dma_wait3A = arith.constant 0 : i32
    %dma_wait3A_11 = tpu.memref_slice %arg8[%dma_wait3A] : memref<128xf32, #tpu.memory_space<vmem>> -> memref<119xf32, #tpu.memory_space<vmem>>
    %dma_wait3A_12 = arith.constant 0 : i32
    %dma_wait3A_13 = tpu.memref_slice %arg8[%dma_wait3A_12] : memref<128xf32, #tpu.memory_space<vmem>> -> memref<119xf32, #tpu.memory_space<vmem>>
    tpu.wait_dma2 semaphore(%arg13 : memref<!tpu.dma_semaphore, #tpu.memory_space<semaphore_mem>>) src(%arg4 : memref<119xf32, #tpu.memory_space<hbm>>) dst(%dma_wait3A_13 : memref<119xf32, #tpu.memory_space<vmem>>)
    %get3A = arith.constant 0 : index
    %get3A_14 = tpu.vector_load %arg8[%get3A] {strides = array<i32>} : memref<128xf32, #tpu.memory_space<vmem>>, vector<16xf32>,
    %lt3A = arith.constant 4.500000e-01 : f32
    %lt3A_15 = vector.broadcast %lt3A : f32 to vector<16xf32>
    %lt3A_16 = arith.cmpf olt, %get3A_14, %lt3A_15 : vector<16xf32>
    %lt3A_17 = arith.constant 1.800000e+00 : f32
    %lt3A_18 = vector.broadcast %lt3A_17 : f32 to vector<16xf32>
    %lt3A_19 = arith.cmpf olt, %get3A_14, %lt3A_18 : vector<16xf32>
    %jit3A = arith.constant 1.000000e+00 : f32
    %jit3A_20 = arith.constant 4.500000e-01 : f32
    %broadcast_in_dim3A = vector.broadcast %jit3A : f32 to vector<16xf32>
    %broadcast_in_dim3A_21 = vector.broadcast %jit3A_20 : f32 to vector<16xf32>
    %select_n3A = arith.select %lt3A_19, %broadcast_in_dim3A, %broadcast_in_dim3A_21 : vector<16xi1>, vector<16xf32>
    %jit3A_22 = arith.constant 1.800000e+00 : f32
    %broadcast_in_dim3A_23 = vector.broadcast %jit3A_22 : f32 to vector<16xf32>
    %select_n3A_24 = arith.select %lt3A_16, %broadcast_in_dim3A_23, %select_n3A : vector<16xi1>, vector<16xf32>
    %mul3A_25 = arith.constant 5.000000e-01 : f32
    %mul3A_26 = vector.broadcast %mul3A_25 : f32 to vector<16xf32>
    %mul3A_27 = arith.mulf %mul3A_26, %get3A_14 : vector<16xf32>
    %mul3A_28 = arith.mulf %mul3A_27, %select_n3A_24 : vector<16xf32>
    %mul3A_29 = arith.mulf %mul3A_28, %select_n3A_24 : vector<16xf32>
    %sub3A = arith.constant 1.500000e+00 : f32
    %sub3A_30 = vector.broadcast %sub3A : f32 to vector<16xf32>
    %sub3A_31 = arith.subf %sub3A_30, %mul3A_29 : vector<16xf32>
    %mul3A_32 = arith.mulf %select_n3A_24, %sub3A_31 : vector<16xf32>
    %mul3A_33 = arith.constant 5.000000e-01 : f32
    %mul3A_34 = vector.broadcast %mul3A_33 : f32 to vector<16xf32>
    %mul3A_35 = arith.mulf %mul3A_34, %get3A_14 : vector<16xf32>
    %mul3A_36 = arith.mulf %mul3A_35, %mul3A_32 : vector<16xf32>
    %mul3A_37 = arith.mulf %mul3A_36, %mul3A_32 : vector<16xf32>
    %sub3A_38 = arith.constant 1.500000e+00 : f32
    %sub3A_39 = vector.broadcast %sub3A_38 : f32 to vector<16xf32>
    %sub3A_40 = arith.subf %sub3A_39, %mul3A_37 : vector<16xf32>
    %mul3A_41 = arith.mulf %mul3A_32, %sub3A_40 : vector<16xf32>
    %mul3A_42 = arith.constant 5.000000e-01 : f32
    %mul3A_43 = vector.broadcast %mul3A_42 : f32 to vector<16xf32>
    %mul3A_44 = arith.mulf %mul3A_43, %get3A_14 : vector<16xf32>
    %mul3A_45 = arith.mulf %mul3A_44, %mul3A_41 : vector<16xf32>
    %mul3A_46 = arith.mulf %mul3A_45, %mul3A_41 : vector<16xf32>
    %sub3A_47 = arith.constant 1.500000e+00 : f32
    %sub3A_48 = vector.broadcast %sub3A_47 : f32 to vector<16xf32>
    %sub3A_49 = arith.subf %sub3A_48, %mul3A_46 : vector<16xf32>
    %mul3A_50 = arith.mulf %mul3A_41, %sub3A_49 : vector<16xf32>
    %mul3A_51 = arith.constant 5.000000e-01 : f32
    %mul3A_52 = vector.broadcast %mul3A_51 : f32 to vector<16xf32>
    %mul3A_53 = arith.mulf %mul3A_52, %get3A_14 : vector<16xf32>
    %mul3A_54 = arith.mulf %mul3A_53, %mul3A_50 : vector<16xf32>
    %mul3A_55 = arith.mulf %mul3A_54, %mul3A_50 : vector<16xf32>
    %sub3A_56 = arith.constant 1.500000e+00 : f32
    %sub3A_57 = vector.broadcast %sub3A_56 : f32 to vector<16xf32>
    %sub3A_58 = arith.subf %sub3A_57, %mul3A_55 : vector<16xf32>
    %mul3A_59 = arith.mulf %mul3A_50, %sub3A_58 : vector<16xf32>
    %mul3A_60 = arith.constant 5.000000e-01 : f32
    %mul3A_61 = vector.broadcast %mul3A_60 : f32 to vector<16xf32>
    %mul3A_62 = arith.mulf %mul3A_61, %get3A_14 : vector<16xf32>
    %mul3A_63 = arith.mulf %mul3A_62, %mul3A_59 : vector<16xf32>
    %mul3A_64 = arith.mulf %mul3A_63, %mul3A_59 : vector<16xf32>
    %sub3A_65 = arith.constant 1.500000e+00 : f32
    %sub3A_66 = vector.broadcast %sub3A_65 : f32 to vector<16xf32>
    %sub3A_67 = arith.subf %sub3A_66, %mul3A_64 : vector<16xf32>
    %mul3A_68 = arith.mulf %mul3A_59, %sub3A_67 : vector<16xf32>
    %mul3A_69 = arith.constant 5.000000e-01 : f32
    %mul3A_70 = vector.broadcast %mul3A_69 : f32 to vector<16xf32>
    %mul3A_71 = arith.mulf %mul3A_70, %get3A_14 : vector<16xf32>
    %mul3A_72 = arith.mulf %mul3A_71, %mul3A_68 : vector<16xf32>
    %mul3A_73 = arith.mulf %mul3A_72, %mul3A_68 : vector<16xf32>
    %sub3A_74 = arith.constant 1.500000e+00 : f32
    %sub3A_75 = vector.broadcast %sub3A_74 : f32 to vector<16xf32>
    %sub3A_76 = arith.subf %sub3A_75, %mul3A_73 : vector<16xf32>
    %mul3A_77 = arith.mulf %mul3A_68, %sub3A_76 : vector<16xf32>
    %swap3A = arith.constant 0 : index
    %swap3A_78 = tpu.vector_load %arg9[%swap3A] {strides = array<i32>} : memref<128xf32, #tpu.memory_space<vmem>>, vector<16xf32>,
    tpu.vector_store %arg9[%swap3A], %mul3A_77 {strides = array<i32>} : memref<128xf32, #tpu.memory_space<vmem>>, vector<16xf32>,
    %get3A_79 = arith.constant 16 : index
    %get3A_80 = tpu.vector_load %arg8[%get3A_79] {strides = array<i32>} : memref<128xf32, #tpu.memory_space<vmem>>, vector<16xf32>,
    %lt3A_81 = arith.constant 4.500000e-01 : f32
    %lt3A_82 = vector.broadcast %lt3A_81 : f32 to vector<16xf32>
    %lt3A_83 = arith.cmpf olt, %get3A_80, %lt3A_82 : vector<16xf32>
    %lt3A_84 = arith.constant 1.800000e+00 : f32
    %lt3A_85 = vector.broadcast %lt3A_84 : f32 to vector<16xf32>
    %lt3A_86 = arith.cmpf olt, %get3A_80, %lt3A_85 : vector<16xf32>
    %jit3A_87 = arith.constant 1.000000e+00 : f32
    %jit3A_88 = arith.constant 4.500000e-01 : f32
    %broadcast_in_dim3A_89 = vector.broadcast %jit3A_87 : f32 to vector<16xf32>
    %broadcast_in_dim3A_90 = vector.broadcast %jit3A_88 : f32 to vector<16xf32>
    %select_n3A_91 = arith.select %lt3A_86, %broadcast_in_dim3A_89, %broadcast_in_dim3A_90 : vector<16xi1>, vector<16xf32>
    %jit3A_92 = arith.constant 1.800000e+00 : f32
    %broadcast_in_dim3A_93 = vector.broadcast %jit3A_92 : f32 to vector<16xf32>
    %select_n3A_94 = arith.select %lt3A_83, %broadcast_in_dim3A_93, %select_n3A_91 : vector<16xi1>, vector<16xf32>
    %mul3A_95 = arith.constant 5.000000e-01 : f32
    %mul3A_96 = vector.broadcast %mul3A_95 : f32 to vector<16xf32>
    %mul3A_97 = arith.mulf %mul3A_96, %get3A_80 : vector<16xf32>
    %mul3A_98 = arith.mulf %mul3A_97, %select_n3A_94 : vector<16xf32>
    %mul3A_99 = arith.mulf %mul3A_98, %select_n3A_94 : vector<16xf32>
    %sub3A_100 = arith.constant 1.500000e+00 : f32
    %sub3A_101 = vector.broadcast %sub3A_100 : f32 to vector<16xf32>
    %sub3A_102 = arith.subf %sub3A_101, %mul3A_99 : vector<16xf32>
    %mul3A_103 = arith.mulf %select_n3A_94, %sub3A_102 : vector<16xf32>
    %mul3A_104 = arith.constant 5.000000e-01 : f32
    %mul3A_105 = vector.broadcast %mul3A_104 : f32 to vector<16xf32>
    %mul3A_106 = arith.mulf %mul3A_105, %get3A_80 : vector<16xf32>
    %mul3A_107 = arith.mulf %mul3A_106, %mul3A_103 : vector<16xf32>
    %mul3A_108 = arith.mulf %mul3A_107, %mul3A_103 : vector<16xf32>
    %sub3A_109 = arith.constant 1.500000e+00 : f32
    %sub3A_110 = vector.broadcast %sub3A_109 : f32 to vector<16xf32>
    %sub3A_111 = arith.subf %sub3A_110, %mul3A_108 : vector<16xf32>
    %mul3A_112 = arith.mulf %mul3A_103, %sub3A_111 : vector<16xf32>
    %mul3A_113 = arith.constant 5.000000e-01 : f32
    %mul3A_114 = vector.broadcast %mul3A_113 : f32 to vector<16xf32>
    %mul3A_115 = arith.mulf %mul3A_114, %get3A_80 : vector<16xf32>
    %mul3A_116 = arith.mulf %mul3A_115, %mul3A_112 : vector<16xf32>
    %mul3A_117 = arith.mulf %mul3A_116, %mul3A_112 : vector<16xf32>
    %sub3A_118 = arith.constant 1.500000e+00 : f32
    %sub3A_119 = vector.broadcast %sub3A_118 : f32 to vector<16xf32>
    %sub3A_120 = arith.subf %sub3A_119, %mul3A_117 : vector<16xf32>
    %mul3A_121 = arith.mulf %mul3A_112, %sub3A_120 : vector<16xf32>
    %mul3A_122 = arith.constant 5.000000e-01 : f32
    %mul3A_123 = vector.broadcast %mul3A_122 : f32 to vector<16xf32>
    %mul3A_124 = arith.mulf %mul3A_123, %get3A_80 : vector<16xf32>
    %mul3A_125 = arith.mulf %mul3A_124, %mul3A_121 : vector<16xf32>
    %mul3A_126 = arith.mulf %mul3A_125, %mul3A_121 : vector<16xf32>
    %sub3A_127 = arith.constant 1.500000e+00 : f32
    %sub3A_128 = vector.broadcast %sub3A_127 : f32 to vector<16xf32>
    %sub3A_129 = arith.subf %sub3A_128, %mul3A_126 : vector<16xf32>
    %mul3A_130 = arith.mulf %mul3A_121, %sub3A_129 : vector<16xf32>
    %mul3A_131 = arith.constant 5.000000e-01 : f32
    %mul3A_132 = vector.broadcast %mul3A_131 : f32 to vector<16xf32>
    %mul3A_133 = arith.mulf %mul3A_132, %get3A_80 : vector<16xf32>
    %mul3A_134 = arith.mulf %mul3A_133, %mul3A_130 : vector<16xf32>
    %mul3A_135 = arith.mulf %mul3A_134, %mul3A_130 : vector<16xf32>
    %sub3A_136 = arith.constant 1.500000e+00 : f32
    %sub3A_137 = vector.broadcast %sub3A_136 : f32 to vector<16xf32>
    %sub3A_138 = arith.subf %sub3A_137, %mul3A_135 : vector<16xf32>
    %mul3A_139 = arith.mulf %mul3A_130, %sub3A_138 : vector<16xf32>
    %mul3A_140 = arith.constant 5.000000e-01 : f32
    %mul3A_141 = vector.broadcast %mul3A_140 : f32 to vector<16xf32>
    %mul3A_142 = arith.mulf %mul3A_141, %get3A_80 : vector<16xf32>
    %mul3A_143 = arith.mulf %mul3A_142, %mul3A_139 : vector<16xf32>
    %mul3A_144 = arith.mulf %mul3A_143, %mul3A_139 : vector<16xf32>
    %sub3A_145 = arith.constant 1.500000e+00 : f32
    %sub3A_146 = vector.broadcast %sub3A_145 : f32 to vector<16xf32>
    %sub3A_147 = arith.subf %sub3A_146, %mul3A_144 : vector<16xf32>
    %mul3A_148 = arith.mulf %mul3A_139, %sub3A_147 : vector<16xf32>
    %swap3A_149 = arith.constant 16 : index
    %swap3A_150 = tpu.vector_load %arg9[%swap3A_149] {strides = array<i32>} : memref<128xf32, #tpu.memory_space<vmem>>, vector<16xf32>,
    tpu.vector_store %arg9[%swap3A_149], %mul3A_148 {strides = array<i32>} : memref<128xf32, #tpu.memory_space<vmem>>, vector<16xf32>,
    %get3A_151 = arith.constant 32 : index
    %get3A_152 = tpu.vector_load %arg8[%get3A_151] {strides = array<i32>} : memref<128xf32, #tpu.memory_space<vmem>>, vector<16xf32>,
    %lt3A_153 = arith.constant 4.500000e-01 : f32
    %lt3A_154 = vector.broadcast %lt3A_153 : f32 to vector<16xf32>
    %lt3A_155 = arith.cmpf olt, %get3A_152, %lt3A_154 : vector<16xf32>
    %lt3A_156 = arith.constant 1.800000e+00 : f32
    %lt3A_157 = vector.broadcast %lt3A_156 : f32 to vector<16xf32>
    %lt3A_158 = arith.cmpf olt, %get3A_152, %lt3A_157 : vector<16xf32>
    %jit3A_159 = arith.constant 1.000000e+00 : f32
    %jit3A_160 = arith.constant 4.500000e-01 : f32
    %broadcast_in_dim3A_161 = vector.broadcast %jit3A_159 : f32 to vector<16xf32>
    %broadcast_in_dim3A_162 = vector.broadcast %jit3A_160 : f32 to vector<16xf32>
    %select_n3A_163 = arith.select %lt3A_158, %broadcast_in_dim3A_161, %broadcast_in_dim3A_162 : vector<16xi1>, vector<16xf32>
    %jit3A_164 = arith.constant 1.800000e+00 : f32
    %broadcast_in_dim3A_165 = vector.broadcast %jit3A_164 : f32 to vector<16xf32>
    %select_n3A_166 = arith.select %lt3A_155, %broadcast_in_dim3A_165, %select_n3A_163 : vector<16xi1>, vector<16xf32>
    %mul3A_167 = arith.constant 5.000000e-01 : f32
    %mul3A_168 = vector.broadcast %mul3A_167 : f32 to vector<16xf32>
    %mul3A_169 = arith.mulf %mul3A_168, %get3A_152 : vector<16xf32>
    %mul3A_170 = arith.mulf %mul3A_169, %select_n3A_166 : vector<16xf32>
    %mul3A_171 = arith.mulf %mul3A_170, %select_n3A_166 : vector<16xf32>
    %sub3A_172 = arith.constant 1.500000e+00 : f32
    %sub3A_173 = vector.broadcast %sub3A_172 : f32 to vector<16xf32>
    %sub3A_174 = arith.subf %sub3A_173, %mul3A_171 : vector<16xf32>
    %mul3A_175 = arith.mulf %select_n3A_166, %sub3A_174 : vector<16xf32>
    %mul3A_176 = arith.constant 5.000000e-01 : f32
    %mul3A_177 = vector.broadcast %mul3A_176 : f32 to vector<16xf32>
    %mul3A_178 = arith.mulf %mul3A_177, %get3A_152 : vector<16xf32>
    %mul3A_179 = arith.mulf %mul3A_178, %mul3A_175 : vector<16xf32>
    %mul3A_180 = arith.mulf %mul3A_179, %mul3A_175 : vector<16xf32>
    %sub3A_181 = arith.constant 1.500000e+00 : f32
    %sub3A_182 = vector.broadcast %sub3A_181 : f32 to vector<16xf32>
    %sub3A_183 = arith.subf %sub3A_182, %mul3A_180 : vector<16xf32>
    %mul3A_184 = arith.mulf %mul3A_175, %sub3A_183 : vector<16xf32>
    %mul3A_185 = arith.constant 5.000000e-01 : f32
    %mul3A_186 = vector.broadcast %mul3A_185 : f32 to vector<16xf32>
    %mul3A_187 = arith.mulf %mul3A_186, %get3A_152 : vector<16xf32>
    %mul3A_188 = arith.mulf %mul3A_187, %mul3A_184 : vector<16xf32>
    %mul3A_189 = arith.mulf %mul3A_188, %mul3A_184 : vector<16xf32>
    %sub3A_190 = arith.constant 1.500000e+00 : f32
    %sub3A_191 = vector.broadcast %sub3A_190 : f32 to vector<16xf32>
    %sub3A_192 = arith.subf %sub3A_191, %mul3A_189 : vector<16xf32>
    %mul3A_193 = arith.mulf %mul3A_184, %sub3A_192 : vector<16xf32>
    %mul3A_194 = arith.constant 5.000000e-01 : f32
    %mul3A_195 = vector.broadcast %mul3A_194 : f32 to vector<16xf32>
    %mul3A_196 = arith.mulf %mul3A_195, %get3A_152 : vector<16xf32>
    %mul3A_197 = arith.mulf %mul3A_196, %mul3A_193 : vector<16xf32>
    %mul3A_198 = arith.mulf %mul3A_197, %mul3A_193 : vector<16xf32>
    %sub3A_199 = arith.constant 1.500000e+00 : f32
    %sub3A_200 = vector.broadcast %sub3A_199 : f32 to vector<16xf32>
    %sub3A_201 = arith.subf %sub3A_200, %mul3A_198 : vector<16xf32>
    %mul3A_202 = arith.mulf %mul3A_193, %sub3A_201 : vector<16xf32>
    %mul3A_203 = arith.constant 5.000000e-01 : f32
    %mul3A_204 = vector.broadcast %mul3A_203 : f32 to vector<16xf32>
    %mul3A_205 = arith.mulf %mul3A_204, %get3A_152 : vector<16xf32>
    %mul3A_206 = arith.mulf %mul3A_205, %mul3A_202 : vector<16xf32>
    %mul3A_207 = arith.mulf %mul3A_206, %mul3A_202 : vector<16xf32>
    %sub3A_208 = arith.constant 1.500000e+00 : f32
    %sub3A_209 = vector.broadcast %sub3A_208 : f32 to vector<16xf32>
    %sub3A_210 = arith.subf %sub3A_209, %mul3A_207 : vector<16xf32>
    %mul3A_211 = arith.mulf %mul3A_202, %sub3A_210 : vector<16xf32>
    %mul3A_212 = arith.constant 5.000000e-01 : f32
    %mul3A_213 = vector.broadcast %mul3A_212 : f32 to vector<16xf32>
    %mul3A_214 = arith.mulf %mul3A_213, %get3A_152 : vector<16xf32>
    %mul3A_215 = arith.mulf %mul3A_214, %mul3A_211 : vector<16xf32>
    %mul3A_216 = arith.mulf %mul3A_215, %mul3A_211 : vector<16xf32>
    %sub3A_217 = arith.constant 1.500000e+00 : f32
    %sub3A_218 = vector.broadcast %sub3A_217 : f32 to vector<16xf32>
    %sub3A_219 = arith.subf %sub3A_218, %mul3A_216 : vector<16xf32>
    %mul3A_220 = arith.mulf %mul3A_211, %sub3A_219 : vector<16xf32>
    %swap3A_221 = arith.constant 32 : index
    %swap3A_222 = tpu.vector_load %arg9[%swap3A_221] {strides = array<i32>} : memref<128xf32, #tpu.memory_space<vmem>>, vector<16xf32>,
    tpu.vector_store %arg9[%swap3A_221], %mul3A_220 {strides = array<i32>} : memref<128xf32, #tpu.memory_space<vmem>>, vector<16xf32>,
    %get3A_223 = arith.constant 48 : index
    %get3A_224 = tpu.vector_load %arg8[%get3A_223] {strides = array<i32>} : memref<128xf32, #tpu.memory_space<vmem>>, vector<16xf32>,
    %lt3A_225 = arith.constant 4.500000e-01 : f32
    %lt3A_226 = vector.broadcast %lt3A_225 : f32 to vector<16xf32>
    %lt3A_227 = arith.cmpf olt, %get3A_224, %lt3A_226 : vector<16xf32>
    %lt3A_228 = arith.constant 1.800000e+00 : f32
    %lt3A_229 = vector.broadcast %lt3A_228 : f32 to vector<16xf32>
    %lt3A_230 = arith.cmpf olt, %get3A_224, %lt3A_229 : vector<16xf32>
    %jit3A_231 = arith.constant 1.000000e+00 : f32
    %jit3A_232 = arith.constant 4.500000e-01 : f32
    %broadcast_in_dim3A_233 = vector.broadcast %jit3A_231 : f32 to vector<16xf32>
    %broadcast_in_dim3A_234 = vector.broadcast %jit3A_232 : f32 to vector<16xf32>
    %select_n3A_235 = arith.select %lt3A_230, %broadcast_in_dim3A_233, %broadcast_in_dim3A_234 : vector<16xi1>, vector<16xf32>
    %jit3A_236 = arith.constant 1.800000e+00 : f32
    %broadcast_in_dim3A_237 = vector.broadcast %jit3A_236 : f32 to vector<16xf32>
    %select_n3A_238 = arith.select %lt3A_227, %broadcast_in_dim3A_237, %select_n3A_235 : vector<16xi1>, vector<16xf32>
    %mul3A_239 = arith.constant 5.000000e-01 : f32
    %mul3A_240 = vector.broadcast %mul3A_239 : f32 to vector<16xf32>
    %mul3A_241 = arith.mulf %mul3A_240, %get3A_224 : vector<16xf32>
    %mul3A_242 = arith.mulf %mul3A_241, %select_n3A_238 : vector<16xf32>
    %mul3A_243 = arith.mulf %mul3A_242, %select_n3A_238 : vector<16xf32>
    %sub3A_244 = arith.constant 1.500000e+00 : f32
    %sub3A_245 = vector.broadcast %sub3A_244 : f32 to vector<16xf32>
    %sub3A_246 = arith.subf %sub3A_245, %mul3A_243 : vector<16xf32>
    %mul3A_247 = arith.mulf %select_n3A_238, %sub3A_246 : vector<16xf32>
    %mul3A_248 = arith.constant 5.000000e-01 : f32
    %mul3A_249 = vector.broadcast %mul3A_248 : f32 to vector<16xf32>
    %mul3A_250 = arith.mulf %mul3A_249, %get3A_224 : vector<16xf32>
    %mul3A_251 = arith.mulf %mul3A_250, %mul3A_247 : vector<16xf32>
    %mul3A_252 = arith.mulf %mul3A_251, %mul3A_247 : vector<16xf32>
    %sub3A_253 = arith.constant 1.500000e+00 : f32
    %sub3A_254 = vector.broadcast %sub3A_253 : f32 to vector<16xf32>
    %sub3A_255 = arith.subf %sub3A_254, %mul3A_252 : vector<16xf32>
    %mul3A_256 = arith.mulf %mul3A_247, %sub3A_255 : vector<16xf32>
    %mul3A_257 = arith.constant 5.000000e-01 : f32
    %mul3A_258 = vector.broadcast %mul3A_257 : f32 to vector<16xf32>
    %mul3A_259 = arith.mulf %mul3A_258, %get3A_224 : vector<16xf32>
    %mul3A_260 = arith.mulf %mul3A_259, %mul3A_256 : vector<16xf32>
    %mul3A_261 = arith.mulf %mul3A_260, %mul3A_256 : vector<16xf32>
    %sub3A_262 = arith.constant 1.500000e+00 : f32
    %sub3A_263 = vector.broadcast %sub3A_262 : f32 to vector<16xf32>
    %sub3A_264 = arith.subf %sub3A_263, %mul3A_261 : vector<16xf32>
    %mul3A_265 = arith.mulf %mul3A_256, %sub3A_264 : vector<16xf32>
    %mul3A_266 = arith.constant 5.000000e-01 : f32
    %mul3A_267 = vector.broadcast %mul3A_266 : f32 to vector<16xf32>
    %mul3A_268 = arith.mulf %mul3A_267, %get3A_224 : vector<16xf32>
    %mul3A_269 = arith.mulf %mul3A_268, %mul3A_265 : vector<16xf32>
    %mul3A_270 = arith.mulf %mul3A_269, %mul3A_265 : vector<16xf32>
    %sub3A_271 = arith.constant 1.500000e+00 : f32
    %sub3A_272 = vector.broadcast %sub3A_271 : f32 to vector<16xf32>
    %sub3A_273 = arith.subf %sub3A_272, %mul3A_270 : vector<16xf32>
    %mul3A_274 = arith.mulf %mul3A_265, %sub3A_273 : vector<16xf32>
    %mul3A_275 = arith.constant 5.000000e-01 : f32
    %mul3A_276 = vector.broadcast %mul3A_275 : f32 to vector<16xf32>
    %mul3A_277 = arith.mulf %mul3A_276, %get3A_224 : vector<16xf32>
    %mul3A_278 = arith.mulf %mul3A_277, %mul3A_274 : vector<16xf32>
    %mul3A_279 = arith.mulf %mul3A_278, %mul3A_274 : vector<16xf32>
    %sub3A_280 = arith.constant 1.500000e+00 : f32
    %sub3A_281 = vector.broadcast %sub3A_280 : f32 to vector<16xf32>
    %sub3A_282 = arith.subf %sub3A_281, %mul3A_279 : vector<16xf32>
    %mul3A_283 = arith.mulf %mul3A_274, %sub3A_282 : vector<16xf32>
    %mul3A_284 = arith.constant 5.000000e-01 : f32
    %mul3A_285 = vector.broadcast %mul3A_284 : f32 to vector<16xf32>
    %mul3A_286 = arith.mulf %mul3A_285, %get3A_224 : vector<16xf32>
    %mul3A_287 = arith.mulf %mul3A_286, %mul3A_283 : vector<16xf32>
    %mul3A_288 = arith.mulf %mul3A_287, %mul3A_283 : vector<16xf32>
    %sub3A_289 = arith.constant 1.500000e+00 : f32
    %sub3A_290 = vector.broadcast %sub3A_289 : f32 to vector<16xf32>
    %sub3A_291 = arith.subf %sub3A_290, %mul3A_288 : vector<16xf32>
    %mul3A_292 = arith.mulf %mul3A_283, %sub3A_291 : vector<16xf32>
    %swap3A_293 = arith.constant 48 : index
    %swap3A_294 = tpu.vector_load %arg9[%swap3A_293] {strides = array<i32>} : memref<128xf32, #tpu.memory_space<vmem>>, vector<16xf32>,
    tpu.vector_store %arg9[%swap3A_293], %mul3A_292 {strides = array<i32>} : memref<128xf32, #tpu.memory_space<vmem>>, vector<16xf32>,
    %get3A_295 = arith.constant 64 : index
    %get3A_296 = tpu.vector_load %arg8[%get3A_295] {strides = array<i32>} : memref<128xf32, #tpu.memory_space<vmem>>, vector<16xf32>,
    %lt3A_297 = arith.constant 4.500000e-01 : f32
    %lt3A_298 = vector.broadcast %lt3A_297 : f32 to vector<16xf32>
    %lt3A_299 = arith.cmpf olt, %get3A_296, %lt3A_298 : vector<16xf32>
    %lt3A_300 = arith.constant 1.800000e+00 : f32
    %lt3A_301 = vector.broadcast %lt3A_300 : f32 to vector<16xf32>
    %lt3A_302 = arith.cmpf olt, %get3A_296, %lt3A_301 : vector<16xf32>
    %jit3A_303 = arith.constant 1.000000e+00 : f32
    %jit3A_304 = arith.constant 4.500000e-01 : f32
    %broadcast_in_dim3A_305 = vector.broadcast %jit3A_303 : f32 to vector<16xf32>
    %broadcast_in_dim3A_306 = vector.broadcast %jit3A_304 : f32 to vector<16xf32>
    %select_n3A_307 = arith.select %lt3A_302, %broadcast_in_dim3A_305, %broadcast_in_dim3A_306 : vector<16xi1>, vector<16xf32>
    %jit3A_308 = arith.constant 1.800000e+00 : f32
    %broadcast_in_dim3A_309 = vector.broadcast %jit3A_308 : f32 to vector<16xf32>
    %select_n3A_310 = arith.select %lt3A_299, %broadcast_in_dim3A_309, %select_n3A_307 : vector<16xi1>, vector<16xf32>
    %mul3A_311 = arith.constant 5.000000e-01 : f32
    %mul3A_312 = vector.broadcast %mul3A_311 : f32 to vector<16xf32>
    %mul3A_313 = arith.mulf %mul3A_312, %get3A_296 : vector<16xf32>
    %mul3A_314 = arith.mulf %mul3A_313, %select_n3A_310 : vector<16xf32>
    %mul3A_315 = arith.mulf %mul3A_314, %select_n3A_310 : vector<16xf32>
    %sub3A_316 = arith.constant 1.500000e+00 : f32
    %sub3A_317 = vector.broadcast %sub3A_316 : f32 to vector<16xf32>
    %sub3A_318 = arith.subf %sub3A_317, %mul3A_315 : vector<16xf32>
    %mul3A_319 = arith.mulf %select_n3A_310, %sub3A_318 : vector<16xf32>
    %mul3A_320 = arith.constant 5.000000e-01 : f32
    %mul3A_321 = vector.broadcast %mul3A_320 : f32 to vector<16xf32>
    %mul3A_322 = arith.mulf %mul3A_321, %get3A_296 : vector<16xf32>
    %mul3A_323 = arith.mulf %mul3A_322, %mul3A_319 : vector<16xf32>
    %mul3A_324 = arith.mulf %mul3A_323, %mul3A_319 : vector<16xf32>
    %sub3A_325 = arith.constant 1.500000e+00 : f32
    %sub3A_326 = vector.broadcast %sub3A_325 : f32 to vector<16xf32>
    %sub3A_327 = arith.subf %sub3A_326, %mul3A_324 : vector<16xf32>
    %mul3A_328 = arith.mulf %mul3A_319, %sub3A_327 : vector<16xf32>
    %mul3A_329 = arith.constant 5.000000e-01 : f32
    %mul3A_330 = vector.broadcast %mul3A_329 : f32 to vector<16xf32>
    %mul3A_331 = arith.mulf %mul3A_330, %get3A_296 : vector<16xf32>
    %mul3A_332 = arith.mulf %mul3A_331, %mul3A_328 : vector<16xf32>
    %mul3A_333 = arith.mulf %mul3A_332, %mul3A_328 : vector<16xf32>
    %sub3A_334 = arith.constant 1.500000e+00 : f32
    %sub3A_335 = vector.broadcast %sub3A_334 : f32 to vector<16xf32>
    %sub3A_336 = arith.subf %sub3A_335, %mul3A_333 : vector<16xf32>
    %mul3A_337 = arith.mulf %mul3A_328, %sub3A_336 : vector<16xf32>
    %mul3A_338 = arith.constant 5.000000e-01 : f32
    %mul3A_339 = vector.broadcast %mul3A_338 : f32 to vector<16xf32>
    %mul3A_340 = arith.mulf %mul3A_339, %get3A_296 : vector<16xf32>
    %mul3A_341 = arith.mulf %mul3A_340, %mul3A_337 : vector<16xf32>
    %mul3A_342 = arith.mulf %mul3A_341, %mul3A_337 : vector<16xf32>
    %sub3A_343 = arith.constant 1.500000e+00 : f32
    %sub3A_344 = vector.broadcast %sub3A_343 : f32 to vector<16xf32>
    %sub3A_345 = arith.subf %sub3A_344, %mul3A_342 : vector<16xf32>
    %mul3A_346 = arith.mulf %mul3A_337, %sub3A_345 : vector<16xf32>
    %mul3A_347 = arith.constant 5.000000e-01 : f32
    %mul3A_348 = vector.broadcast %mul3A_347 : f32 to vector<16xf32>
    %mul3A_349 = arith.mulf %mul3A_348, %get3A_296 : vector<16xf32>
    %mul3A_350 = arith.mulf %mul3A_349, %mul3A_346 : vector<16xf32>
    %mul3A_351 = arith.mulf %mul3A_350, %mul3A_346 : vector<16xf32>
    %sub3A_352 = arith.constant 1.500000e+00 : f32
    %sub3A_353 = vector.broadcast %sub3A_352 : f32 to vector<16xf32>
    %sub3A_354 = arith.subf %sub3A_353, %mul3A_351 : vector<16xf32>
    %mul3A_355 = arith.mulf %mul3A_346, %sub3A_354 : vector<16xf32>
    %mul3A_356 = arith.constant 5.000000e-01 : f32
    %mul3A_357 = vector.broadcast %mul3A_356 : f32 to vector<16xf32>
    %mul3A_358 = arith.mulf %mul3A_357, %get3A_296 : vector<16xf32>
    %mul3A_359 = arith.mulf %mul3A_358, %mul3A_355 : vector<16xf32>
    %mul3A_360 = arith.mulf %mul3A_359, %mul3A_355 : vector<16xf32>
    %sub3A_361 = arith.constant 1.500000e+00 : f32
    %sub3A_362 = vector.broadcast %sub3A_361 : f32 to vector<16xf32>
    %sub3A_363 = arith.subf %sub3A_362, %mul3A_360 : vector<16xf32>
    %mul3A_364 = arith.mulf %mul3A_355, %sub3A_363 : vector<16xf32>
    %swap3A_365 = arith.constant 64 : index
    %swap3A_366 = tpu.vector_load %arg9[%swap3A_365] {strides = array<i32>} : memref<128xf32, #tpu.memory_space<vmem>>, vector<16xf32>,
    tpu.vector_store %arg9[%swap3A_365], %mul3A_364 {strides = array<i32>} : memref<128xf32, #tpu.memory_space<vmem>>, vector<16xf32>,
    %get3A_367 = arith.constant 80 : index
    %get3A_368 = tpu.vector_load %arg8[%get3A_367] {strides = array<i32>} : memref<128xf32, #tpu.memory_space<vmem>>, vector<16xf32>,
    %lt3A_369 = arith.constant 4.500000e-01 : f32
    %lt3A_370 = vector.broadcast %lt3A_369 : f32 to vector<16xf32>
    %lt3A_371 = arith.cmpf olt, %get3A_368, %lt3A_370 : vector<16xf32>
    %lt3A_372 = arith.constant 1.800000e+00 : f32
    %lt3A_373 = vector.broadcast %lt3A_372 : f32 to vector<16xf32>
    %lt3A_374 = arith.cmpf olt, %get3A_368, %lt3A_373 : vector<16xf32>
    %jit3A_375 = arith.constant 1.000000e+00 : f32
    %jit3A_376 = arith.constant 4.500000e-01 : f32
    %broadcast_in_dim3A_377 = vector.broadcast %jit3A_375 : f32 to vector<16xf32>
    %broadcast_in_dim3A_378 = vector.broadcast %jit3A_376 : f32 to vector<16xf32>
    %select_n3A_379 = arith.select %lt3A_374, %broadcast_in_dim3A_377, %broadcast_in_dim3A_378 : vector<16xi1>, vector<16xf32>
    %jit3A_380 = arith.constant 1.800000e+00 : f32
    %broadcast_in_dim3A_381 = vector.broadcast %jit3A_380 : f32 to vector<16xf32>
    %select_n3A_382 = arith.select %lt3A_371, %broadcast_in_dim3A_381, %select_n3A_379 : vector<16xi1>, vector<16xf32>
    %mul3A_383 = arith.constant 5.000000e-01 : f32
    %mul3A_384 = vector.broadcast %mul3A_383 : f32 to vector<16xf32>
    %mul3A_385 = arith.mulf %mul3A_384, %get3A_368 : vector<16xf32>
    %mul3A_386 = arith.mulf %mul3A_385, %select_n3A_382 : vector<16xf32>
    %mul3A_387 = arith.mulf %mul3A_386, %select_n3A_382 : vector<16xf32>
    %sub3A_388 = arith.constant 1.500000e+00 : f32
    %sub3A_389 = vector.broadcast %sub3A_388 : f32 to vector<16xf32>
    %sub3A_390 = arith.subf %sub3A_389, %mul3A_387 : vector<16xf32>
    %mul3A_391 = arith.mulf %select_n3A_382, %sub3A_390 : vector<16xf32>
    %mul3A_392 = arith.constant 5.000000e-01 : f32
    %mul3A_393 = vector.broadcast %mul3A_392 : f32 to vector<16xf32>
    %mul3A_394 = arith.mulf %mul3A_393, %get3A_368 : vector<16xf32>
    %mul3A_395 = arith.mulf %mul3A_394, %mul3A_391 : vector<16xf32>
    %mul3A_396 = arith.mulf %mul3A_395, %mul3A_391 : vector<16xf32>
    %sub3A_397 = arith.constant 1.500000e+00 : f32
    %sub3A_398 = vector.broadcast %sub3A_397 : f32 to vector<16xf32>
    %sub3A_399 = arith.subf %sub3A_398, %mul3A_396 : vector<16xf32>
    %mul3A_400 = arith.mulf %mul3A_391, %sub3A_399 : vector<16xf32>
    %mul3A_401 = arith.constant 5.000000e-01 : f32
    %mul3A_402 = vector.broadcast %mul3A_401 : f32 to vector<16xf32>
    %mul3A_403 = arith.mulf %mul3A_402, %get3A_368 : vector<16xf32>
    %mul3A_404 = arith.mulf %mul3A_403, %mul3A_400 : vector<16xf32>
    %mul3A_405 = arith.mulf %mul3A_404, %mul3A_400 : vector<16xf32>
    %sub3A_406 = arith.constant 1.500000e+00 : f32
    %sub3A_407 = vector.broadcast %sub3A_406 : f32 to vector<16xf32>
    %sub3A_408 = arith.subf %sub3A_407, %mul3A_405 : vector<16xf32>
    %mul3A_409 = arith.mulf %mul3A_400, %sub3A_408 : vector<16xf32>
    %mul3A_410 = arith.constant 5.000000e-01 : f32
    %mul3A_411 = vector.broadcast %mul3A_410 : f32 to vector<16xf32>
    %mul3A_412 = arith.mulf %mul3A_411, %get3A_368 : vector<16xf32>
    %mul3A_413 = arith.mulf %mul3A_412, %mul3A_409 : vector<16xf32>
    %mul3A_414 = arith.mulf %mul3A_413, %mul3A_409 : vector<16xf32>
    %sub3A_415 = arith.constant 1.500000e+00 : f32
    %sub3A_416 = vector.broadcast %sub3A_415 : f32 to vector<16xf32>
    %sub3A_417 = arith.subf %sub3A_416, %mul3A_414 : vector<16xf32>
    %mul3A_418 = arith.mulf %mul3A_409, %sub3A_417 : vector<16xf32>
    %mul3A_419 = arith.constant 5.000000e-01 : f32
    %mul3A_420 = vector.broadcast %mul3A_419 : f32 to vector<16xf32>
    %mul3A_421 = arith.mulf %mul3A_420, %get3A_368 : vector<16xf32>
    %mul3A_422 = arith.mulf %mul3A_421, %mul3A_418 : vector<16xf32>
    %mul3A_423 = arith.mulf %mul3A_422, %mul3A_418 : vector<16xf32>
    %sub3A_424 = arith.constant 1.500000e+00 : f32
    %sub3A_425 = vector.broadcast %sub3A_424 : f32 to vector<16xf32>
    %sub3A_426 = arith.subf %sub3A_425, %mul3A_423 : vector<16xf32>
    %mul3A_427 = arith.mulf %mul3A_418, %sub3A_426 : vector<16xf32>
    %mul3A_428 = arith.constant 5.000000e-01 : f32
    %mul3A_429 = vector.broadcast %mul3A_428 : f32 to vector<16xf32>
    %mul3A_430 = arith.mulf %mul3A_429, %get3A_368 : vector<16xf32>
    %mul3A_431 = arith.mulf %mul3A_430, %mul3A_427 : vector<16xf32>
    %mul3A_432 = arith.mulf %mul3A_431, %mul3A_427 : vector<16xf32>
    %sub3A_433 = arith.constant 1.500000e+00 : f32
    %sub3A_434 = vector.broadcast %sub3A_433 : f32 to vector<16xf32>
    %sub3A_435 = arith.subf %sub3A_434, %mul3A_432 : vector<16xf32>
    %mul3A_436 = arith.mulf %mul3A_427, %sub3A_435 : vector<16xf32>
    %swap3A_437 = arith.constant 80 : index
    %swap3A_438 = tpu.vector_load %arg9[%swap3A_437] {strides = array<i32>} : memref<128xf32, #tpu.memory_space<vmem>>, vector<16xf32>,
    tpu.vector_store %arg9[%swap3A_437], %mul3A_436 {strides = array<i32>} : memref<128xf32, #tpu.memory_space<vmem>>, vector<16xf32>,
    %get3A_439 = arith.constant 96 : index
    %get3A_440 = tpu.vector_load %arg8[%get3A_439] {strides = array<i32>} : memref<128xf32, #tpu.memory_space<vmem>>, vector<16xf32>,
    %lt3A_441 = arith.constant 4.500000e-01 : f32
    %lt3A_442 = vector.broadcast %lt3A_441 : f32 to vector<16xf32>
    %lt3A_443 = arith.cmpf olt, %get3A_440, %lt3A_442 : vector<16xf32>
    %lt3A_444 = arith.constant 1.800000e+00 : f32
    %lt3A_445 = vector.broadcast %lt3A_444 : f32 to vector<16xf32>
    %lt3A_446 = arith.cmpf olt, %get3A_440, %lt3A_445 : vector<16xf32>
    %jit3A_447 = arith.constant 1.000000e+00 : f32
    %jit3A_448 = arith.constant 4.500000e-01 : f32
    %broadcast_in_dim3A_449 = vector.broadcast %jit3A_447 : f32 to vector<16xf32>
    %broadcast_in_dim3A_450 = vector.broadcast %jit3A_448 : f32 to vector<16xf32>
    %select_n3A_451 = arith.select %lt3A_446, %broadcast_in_dim3A_449, %broadcast_in_dim3A_450 : vector<16xi1>, vector<16xf32>
    %jit3A_452 = arith.constant 1.800000e+00 : f32
    %broadcast_in_dim3A_453 = vector.broadcast %jit3A_452 : f32 to vector<16xf32>
    %select_n3A_454 = arith.select %lt3A_443, %broadcast_in_dim3A_453, %select_n3A_451 : vector<16xi1>, vector<16xf32>
    %mul3A_455 = arith.constant 5.000000e-01 : f32
    %mul3A_456 = vector.broadcast %mul3A_455 : f32 to vector<16xf32>
    %mul3A_457 = arith.mulf %mul3A_456, %get3A_440 : vector<16xf32>
    %mul3A_458 = arith.mulf %mul3A_457, %select_n3A_454 : vector<16xf32>
    %mul3A_459 = arith.mulf %mul3A_458, %select_n3A_454 : vector<16xf32>
    %sub3A_460 = arith.constant 1.500000e+00 : f32
    %sub3A_461 = vector.broadcast %sub3A_460 : f32 to vector<16xf32>
    %sub3A_462 = arith.subf %sub3A_461, %mul3A_459 : vector<16xf32>
    %mul3A_463 = arith.mulf %select_n3A_454, %sub3A_462 : vector<16xf32>
    %mul3A_464 = arith.constant 5.000000e-01 : f32
    %mul3A_465 = vector.broadcast %mul3A_464 : f32 to vector<16xf32>
    %mul3A_466 = arith.mulf %mul3A_465, %get3A_440 : vector<16xf32>
    %mul3A_467 = arith.mulf %mul3A_466, %mul3A_463 : vector<16xf32>
    %mul3A_468 = arith.mulf %mul3A_467, %mul3A_463 : vector<16xf32>
    %sub3A_469 = arith.constant 1.500000e+00 : f32
    %sub3A_470 = vector.broadcast %sub3A_469 : f32 to vector<16xf32>
    %sub3A_471 = arith.subf %sub3A_470, %mul3A_468 : vector<16xf32>
    %mul3A_472 = arith.mulf %mul3A_463, %sub3A_471 : vector<16xf32>
    %mul3A_473 = arith.constant 5.000000e-01 : f32
    %mul3A_474 = vector.broadcast %mul3A_473 : f32 to vector<16xf32>
    %mul3A_475 = arith.mulf %mul3A_474, %get3A_440 : vector<16xf32>
    %mul3A_476 = arith.mulf %mul3A_475, %mul3A_472 : vector<16xf32>
    %mul3A_477 = arith.mulf %mul3A_476, %mul3A_472 : vector<16xf32>
    %sub3A_478 = arith.constant 1.500000e+00 : f32
    %sub3A_479 = vector.broadcast %sub3A_478 : f32 to vector<16xf32>
    %sub3A_480 = arith.subf %sub3A_479, %mul3A_477 : vector<16xf32>
    %mul3A_481 = arith.mulf %mul3A_472, %sub3A_480 : vector<16xf32>
    %mul3A_482 = arith.constant 5.000000e-01 : f32
    %mul3A_483 = vector.broadcast %mul3A_482 : f32 to vector<16xf32>
    %mul3A_484 = arith.mulf %mul3A_483, %get3A_440 : vector<16xf32>
    %mul3A_485 = arith.mulf %mul3A_484, %mul3A_481 : vector<16xf32>
    %mul3A_486 = arith.mulf %mul3A_485, %mul3A_481 : vector<16xf32>
    %sub3A_487 = arith.constant 1.500000e+00 : f32
    %sub3A_488 = vector.broadcast %sub3A_487 : f32 to vector<16xf32>
    %sub3A_489 = arith.subf %sub3A_488, %mul3A_486 : vector<16xf32>
    %mul3A_490 = arith.mulf %mul3A_481, %sub3A_489 : vector<16xf32>
    %mul3A_491 = arith.constant 5.000000e-01 : f32
    %mul3A_492 = vector.broadcast %mul3A_491 : f32 to vector<16xf32>
    %mul3A_493 = arith.mulf %mul3A_492, %get3A_440 : vector<16xf32>
    %mul3A_494 = arith.mulf %mul3A_493, %mul3A_490 : vector<16xf32>
    %mul3A_495 = arith.mulf %mul3A_494, %mul3A_490 : vector<16xf32>
    %sub3A_496 = arith.constant 1.500000e+00 : f32
    %sub3A_497 = vector.broadcast %sub3A_496 : f32 to vector<16xf32>
    %sub3A_498 = arith.subf %sub3A_497, %mul3A_495 : vector<16xf32>
    %mul3A_499 = arith.mulf %mul3A_490, %sub3A_498 : vector<16xf32>
    %mul3A_500 = arith.constant 5.000000e-01 : f32
    %mul3A_501 = vector.broadcast %mul3A_500 : f32 to vector<16xf32>
    %mul3A_502 = arith.mulf %mul3A_501, %get3A_440 : vector<16xf32>
    %mul3A_503 = arith.mulf %mul3A_502, %mul3A_499 : vector<16xf32>
    %mul3A_504 = arith.mulf %mul3A_503, %mul3A_499 : vector<16xf32>
    %sub3A_505 = arith.constant 1.500000e+00 : f32
    %sub3A_506 = vector.broadcast %sub3A_505 : f32 to vector<16xf32>
    %sub3A_507 = arith.subf %sub3A_506, %mul3A_504 : vector<16xf32>
    %mul3A_508 = arith.mulf %mul3A_499, %sub3A_507 : vector<16xf32>
    %swap3A_509 = arith.constant 96 : index
    %swap3A_510 = tpu.vector_load %arg9[%swap3A_509] {strides = array<i32>} : memref<128xf32, #tpu.memory_space<vmem>>, vector<16xf32>,
    tpu.vector_store %arg9[%swap3A_509], %mul3A_508 {strides = array<i32>} : memref<128xf32, #tpu.memory_space<vmem>>, vector<16xf32>,
    %get3A_511 = arith.constant 112 : index
    %get3A_512 = tpu.vector_load %arg8[%get3A_511] {strides = array<i32>} : memref<128xf32, #tpu.memory_space<vmem>>, vector<16xf32>,
    %lt3A_513 = arith.constant 4.500000e-01 : f32
    %lt3A_514 = vector.broadcast %lt3A_513 : f32 to vector<16xf32>
    %lt3A_515 = arith.cmpf olt, %get3A_512, %lt3A_514 : vector<16xf32>
    %lt3A_516 = arith.constant 1.800000e+00 : f32
    %lt3A_517 = vector.broadcast %lt3A_516 : f32 to vector<16xf32>
    %lt3A_518 = arith.cmpf olt, %get3A_512, %lt3A_517 : vector<16xf32>
    %jit3A_519 = arith.constant 1.000000e+00 : f32
    %jit3A_520 = arith.constant 4.500000e-01 : f32
    %broadcast_in_dim3A_521 = vector.broadcast %jit3A_519 : f32 to vector<16xf32>
    %broadcast_in_dim3A_522 = vector.broadcast %jit3A_520 : f32 to vector<16xf32>
    %select_n3A_523 = arith.select %lt3A_518, %broadcast_in_dim3A_521, %broadcast_in_dim3A_522 : vector<16xi1>, vector<16xf32>
    %jit3A_524 = arith.constant 1.800000e+00 : f32
    %broadcast_in_dim3A_525 = vector.broadcast %jit3A_524 : f32 to vector<16xf32>
    %select_n3A_526 = arith.select %lt3A_515, %broadcast_in_dim3A_525, %select_n3A_523 : vector<16xi1>, vector<16xf32>
    %mul3A_527 = arith.constant 5.000000e-01 : f32
    %mul3A_528 = vector.broadcast %mul3A_527 : f32 to vector<16xf32>
    %mul3A_529 = arith.mulf %mul3A_528, %get3A_512 : vector<16xf32>
    %mul3A_530 = arith.mulf %mul3A_529, %select_n3A_526 : vector<16xf32>
    %mul3A_531 = arith.mulf %mul3A_530, %select_n3A_526 : vector<16xf32>
    %sub3A_532 = arith.constant 1.500000e+00 : f32
    %sub3A_533 = vector.broadcast %sub3A_532 : f32 to vector<16xf32>
    %sub3A_534 = arith.subf %sub3A_533, %mul3A_531 : vector<16xf32>
    %mul3A_535 = arith.mulf %select_n3A_526, %sub3A_534 : vector<16xf32>
    %mul3A_536 = arith.constant 5.000000e-01 : f32
    %mul3A_537 = vector.broadcast %mul3A_536 : f32 to vector<16xf32>
    %mul3A_538 = arith.mulf %mul3A_537, %get3A_512 : vector<16xf32>
    %mul3A_539 = arith.mulf %mul3A_538, %mul3A_535 : vector<16xf32>
    %mul3A_540 = arith.mulf %mul3A_539, %mul3A_535 : vector<16xf32>
    %sub3A_541 = arith.constant 1.500000e+00 : f32
    %sub3A_542 = vector.broadcast %sub3A_541 : f32 to vector<16xf32>
    %sub3A_543 = arith.subf %sub3A_542, %mul3A_540 : vector<16xf32>
    %mul3A_544 = arith.mulf %mul3A_535, %sub3A_543 : vector<16xf32>
    %mul3A_545 = arith.constant 5.000000e-01 : f32
    %mul3A_546 = vector.broadcast %mul3A_545 : f32 to vector<16xf32>
    %mul3A_547 = arith.mulf %mul3A_546, %get3A_512 : vector<16xf32>
    %mul3A_548 = arith.mulf %mul3A_547, %mul3A_544 : vector<16xf32>
    %mul3A_549 = arith.mulf %mul3A_548, %mul3A_544 : vector<16xf32>
    %sub3A_550 = arith.constant 1.500000e+00 : f32
    %sub3A_551 = vector.broadcast %sub3A_550 : f32 to vector<16xf32>
    %sub3A_552 = arith.subf %sub3A_551, %mul3A_549 : vector<16xf32>
    %mul3A_553 = arith.mulf %mul3A_544, %sub3A_552 : vector<16xf32>
    %mul3A_554 = arith.constant 5.000000e-01 : f32
    %mul3A_555 = vector.broadcast %mul3A_554 : f32 to vector<16xf32>
    %mul3A_556 = arith.mulf %mul3A_555, %get3A_512 : vector<16xf32>
    %mul3A_557 = arith.mulf %mul3A_556, %mul3A_553 : vector<16xf32>
    %mul3A_558 = arith.mulf %mul3A_557, %mul3A_553 : vector<16xf32>
    %sub3A_559 = arith.constant 1.500000e+00 : f32
    %sub3A_560 = vector.broadcast %sub3A_559 : f32 to vector<16xf32>
    %sub3A_561 = arith.subf %sub3A_560, %mul3A_558 : vector<16xf32>
    %mul3A_562 = arith.mulf %mul3A_553, %sub3A_561 : vector<16xf32>
    %mul3A_563 = arith.constant 5.000000e-01 : f32
    %mul3A_564 = vector.broadcast %mul3A_563 : f32 to vector<16xf32>
    %mul3A_565 = arith.mulf %mul3A_564, %get3A_512 : vector<16xf32>
    %mul3A_566 = arith.mulf %mul3A_565, %mul3A_562 : vector<16xf32>
    %mul3A_567 = arith.mulf %mul3A_566, %mul3A_562 : vector<16xf32>
    %sub3A_568 = arith.constant 1.500000e+00 : f32
    %sub3A_569 = vector.broadcast %sub3A_568 : f32 to vector<16xf32>
    %sub3A_570 = arith.subf %sub3A_569, %mul3A_567 : vector<16xf32>
    %mul3A_571 = arith.mulf %mul3A_562, %sub3A_570 : vector<16xf32>
    %mul3A_572 = arith.constant 5.000000e-01 : f32
    %mul3A_573 = vector.broadcast %mul3A_572 : f32 to vector<16xf32>
    %mul3A_574 = arith.mulf %mul3A_573, %get3A_512 : vector<16xf32>
    %mul3A_575 = arith.mulf %mul3A_574, %mul3A_571 : vector<16xf32>
    %mul3A_576 = arith.mulf %mul3A_575, %mul3A_571 : vector<16xf32>
    %sub3A_577 = arith.constant 1.500000e+00 : f32
    %sub3A_578 = vector.broadcast %sub3A_577 : f32 to vector<16xf32>
    %sub3A_579 = arith.subf %sub3A_578, %mul3A_576 : vector<16xf32>
    %mul3A_580 = arith.mulf %mul3A_571, %sub3A_579 : vector<16xf32>
    %swap3A_581 = arith.constant 112 : index
    %swap3A_582 = tpu.vector_load %arg9[%swap3A_581] {strides = array<i32>} : memref<128xf32, #tpu.memory_space<vmem>>, vector<16xf32>,
    tpu.vector_store %arg9[%swap3A_581], %mul3A_580 {strides = array<i32>} : memref<128xf32, #tpu.memory_space<vmem>>, vector<16xf32>,
    %dma_wait3A_583 = tpu.memref_slice %arg3[%min3A_3] : memref<100000xi32, #tpu.memory_space<hbm>> -> memref<3136xi32, #tpu.memory_space<hbm>>
    %dma_wait3A_584 = tpu.memref_slice %arg3[%min3A_3] : memref<100000xi32, #tpu.memory_space<hbm>> -> memref<3136xi32, #tpu.memory_space<hbm>>
    tpu.wait_dma2 semaphore(%arg11 : memref<!tpu.dma_semaphore, #tpu.memory_space<semaphore_mem>>) src(%dma_wait3A_584 : memref<3136xi32, #tpu.memory_space<hbm>>) dst(%arg7 : memref<3136xi32, #tpu.memory_space<vmem>>)
    %dma_wait3A_585 = tpu.memref_slice %arg2[%min3A_3] : memref<100000xf32, #tpu.memory_space<hbm>> -> memref<3136xf32, #tpu.memory_space<hbm>>
    %dma_wait3A_586 = tpu.memref_slice %arg2[%min3A_3] : memref<100000xf32, #tpu.memory_space<hbm>> -> memref<3136xf32, #tpu.memory_space<hbm>>
    tpu.wait_dma2 semaphore(%arg12 : memref<!tpu.dma_semaphore, #tpu.memory_space<semaphore_mem>>) src(%dma_wait3A_586 : memref<3136xf32, #tpu.memory_space<hbm>>) dst(%arg6 : memref<3136xf32, #tpu.memory_space<vmem>>)
    %parallel_loop3A = arith.constant 0 : i32
    %parallel_loop3A_587 = arith.constant 3136 : i32
    %parallel_loop3A_588 = arith.constant 16 : i32
    scf.for %parallel_loop3A_589 = %parallel_loop3A to %parallel_loop3A_587 step %parallel_loop3A_588  : i32 {
      %parallel_loop3A_590 = arith.index_cast %parallel_loop3A_589 : i32 to index
      %parallel_loop3A_591 = tpu.vector_load %arg7[%parallel_loop3A_590] {strides = array<i32>} : memref<3136xi32, #tpu.memory_space<vmem>>, vector<16xi32>,
      %parallel_loop3A_592 = tpu.vector_load_idx %arg9[%parallel_loop3A_591] : memref<128xf32, #tpu.memory_space<vmem>>[vector<16xi32>], vector<16xf32>,
      %parallel_loop3A_593 = arith.index_cast %parallel_loop3A_589 : i32 to index
      %parallel_loop3A_594 = tpu.vector_load %arg6[%parallel_loop3A_593] {strides = array<i32>} : memref<3136xf32, #tpu.memory_space<vmem>>, vector<16xf32>,
      %parallel_loop3A_595 = arith.mulf %parallel_loop3A_594, %parallel_loop3A_592 : vector<16xf32>
      %parallel_loop3A_596 = arith.index_cast %parallel_loop3A_589 : i32 to index
      %parallel_loop3A_597 = tpu.vector_load %arg10[%parallel_loop3A_596] {strides = array<i32>} : memref<3136xf32, #tpu.memory_space<vmem>>, vector<16xf32>,
      tpu.vector_store %arg10[%parallel_loop3A_596], %parallel_loop3A_595 {strides = array<i32>} : memref<3136xf32, #tpu.memory_space<vmem>>, vector<16xf32>,
    } {sc.loop_unroll_factor = 8 : i64, sc.parallel_access}
    "tpu.region"() ({
      %run_scoped3A = tpu.sem_alloc : memref<!tpu.dma_semaphore, #tpu.memory_space<semaphore_mem>>
      %dma_start3A_589 = tpu.memref_slice %arg5[%min3A_3] : memref<100000xf32, #tpu.memory_space<hbm>> -> memref<3136xf32, #tpu.memory_space<hbm>>
      %dma_start3A_590 = tpu.memref_slice %arg5[%min3A_3] : memref<100000xf32, #tpu.memory_space<hbm>> -> memref<3136xf32, #tpu.memory_space<hbm>>
      tpu.enqueue_dma source(%arg10 : memref<3136xf32, #tpu.memory_space<vmem>>) target(%dma_start3A_590 : memref<3136xf32, #tpu.memory_space<hbm>>) target_semaphore(%run_scoped3A : memref<!tpu.dma_semaphore, #tpu.memory_space<semaphore_mem>>)
      %dma_wait3A_591 = tpu.memref_slice %arg5[%min3A_3] : memref<100000xf32, #tpu.memory_space<hbm>> -> memref<3136xf32, #tpu.memory_space<hbm>>
      %dma_wait3A_592 = tpu.memref_slice %arg5[%min3A_3] : memref<100000xf32, #tpu.memory_space<hbm>> -> memref<3136xf32, #tpu.memory_space<hbm>>
      tpu.wait_dma2 semaphore(%run_scoped3A : memref<!tpu.dma_semaphore, #tpu.memory_space<semaphore_mem>>) src(%arg10 : memref<3136xf32, #tpu.memory_space<vmem>>) dst(%dma_wait3A_592 : memref<3136xf32, #tpu.memory_space<hbm>>)
      tpu.yield
    }) : () -> ()
    return
  }
}

</mosaic_0001>

<sc_bundles>
// kernel: kernel.3.cloned.1.call-start
scs
__scs_entry_jumppad:
0x0: {  	(pc) =	sbr.rel $0x88, $3  }
0x1: {  	(tag) =	ssettag $0x0;
	lr =	simm.s32 $0x1  }
0x2: {  	[smem:$0x3F9E] =	sst lr;
	_ =	strace $0xD0000000  }
0x3: {  	_ = 	snop  }
0x4: {  	_ = 	snop  }
0x5: {  	_ = 	snop  }
0x6: {  	_ = 	snop  }
0x7: {  	_ = 	snop  }
__scs_overlays_trampoline_lowered:
0x8: {  	[smem:$0x3FAD] =	sst s0  }
0x9: {  	[smem:$0x3FAE] =	sst s1  }
0xa: {  	[smem:$0x3FAF] =	sst s2  }
0xb: {  	[smem:$0x3FB0] =	sst s3  }
0xc: {  	[smem:$0x3FB1] =	sst s4  }
0xd: {  	[smem:$0x3FB2] =	sst s5  }
0xe: {  	[smem:$0x3FB3] =	sst s6  }
0xf: {  	[smem:$0x3FB4] =	sst s7  }
0x10: {  	[smem:$0x3FB5] =	sst s8  }
0x11: {  	[smem:$0x3FB6] =	sst s9;
	s0 =	simm.s32 @!p0 $0x0  }
0x12: {  	s1 =	sld [smem:$0x3F9C];
	s0 =	simm.s32 @p0 $0x1  }
0x13: {  	[smem:$0x3FB7] =	sst s0;
	s0 =	simm.s32 @!p1 $0x0  }
0x14: {  	s2 =	sld [smem:$0x3F9B];
	s0 =	simm.s32 @p1 $0x1  }
0x15: {  	[smem:$0x3FB8] =	sst s0;
	s0 =	simm.s32 @!p2 $0x0  }
0x16: {  	s3 =	sld [smem:$0x3FDB];
	s0 =	simm.s32 @p2 $0x1  }
0x17: {  	s4 =	simm.s32 $0x1BF5;
	[smem:$0x3FBA] =	sst s0  }
0x18: {  	s0 =	sld [smem:$0x3F9D];
	_ =	swait.ge [sflag:s4], $0x0  }
0x19: {  	s7 =	sld [smem:$0x3F9E]  }
0x1a: {  	s8 =	sadd.s32 $0xFFFFE003, lr  }
0x1b: {  	s9 =	sadd.s32 $0xFFFFFEF7, lr;
	s5 =	simm.s32 $0xFFFFFFFF;
	p2 =	slt.u32 s8, $0xFFFFF086  }
0x1c: {  	p1 =	slt.u32 s9, $0xF7A;
	s5 =	simm.s32 @!p2 $0x0  }
0x1d: {  	s5 =	simm.s32 @p1 $0x1;
	p0 =	seq.s32 s7, s2  }
0x1e: {  	s7 =	smul.u32 @!p0 $0xF7A, s2;
	p2 =	seq.s32 @!p0 s5, $0x0  }
0x1f: {  	s9 =	smul.u32 $0xF7A, s1;
	s8 =	simm.s32 @!p0 $0x1BF5;
	p2 =	por !p2, p0  }
0x20: {  	[sflag:s8] =	ssyncset.s32 @!p0 $0xFFFFF086;
	s6 =	sadd.s32 @!p0 s3, s7;
	s7 =	simm.s32 @!p0 $0x108  }
0x21: {  	s3 =	sadd.s32 s3, s9;
	s6 =	sadd.s32 @!p0 $0x88, s6;
	s7 =	simm.s32 @p2 $0x1082  }
0x22: {  	[simem:s7], [sflag:s8] =	dma.local @!p0 [hbm:s6], $0xF7A  }
0x23: {  	s9 =	sor.u32 $0xD0000000, s2;
	s6 =	simm.s32 $0x108;
	_ =	swait.ge @!p0 [sflag:s8], $0x0  }
0x24: {  	s3 =	sadd.s32 $0x88, s3;
	s6 =	simm.s32 @!p1 $0x1082;
	[sflag:s4] =	ssyncset.s32 $0xFFFFF086  }
0x25: {  	[simem:s6], [sflag:s4] =	dma.local [hbm:s3], $0xF7A  }
0x26: {  	[smem:$0x3F9E] =	sst s1;
	(tag) =	ssettag s2;
	_ =	strace s9  }
0x27: {  	s1 =	sld [smem:$0x3FAE]  }
0x28: {  	s2 =	sld [smem:$0x3FAF]  }
0x29: {  	s4 =	sld [smem:$0x3FB1]  }
0x2a: {  	p0 =	seq.s32 s5, $0x0;
	s5 =	sld [smem:$0x3FB2]  }
0x2b: {  	s6 =	sld [smem:$0x3FB3]  }
0x2c: {  	s7 =	sld [smem:$0x3FB4]  }
0x2d: {  	s3 =	simm.s32 $0x108;
	s8 =	sld [smem:$0x3FB5]  }
0x2e: {  	s3 =	simm.s32 @!p0 $0x1082;
	s9 =	sld [smem:$0x3FB6]  }
0x2f: {  	lr =	sadd.s32 s0, s3;
	s0 =	sld [smem:$0x3FAD]  }
0x30: {  	s3 =	sld [smem:$0x3FB0]  }
0x31: {  	[smem:$0x3FB9] =	sst s10  }
0x32: {  	s10 =	sld [smem:$0x3FB7];
	_ =	sdelay $0x3  }
0x33: {  	p0 =	seq.s32 s10, $0x1;
	s10 =	sld [smem:$0x3FB9];
	_ =	sdelay $0x3  }
0x34: {  	[smem:$0x3FB9] =	sst s10  }
0x35: {  	s10 =	sld [smem:$0x3FB8];
	_ =	sdelay $0x3  }
0x36: {  	p1 =	seq.s32 s10, $0x1;
	s10 =	sld [smem:$0x3FB9];
	_ =	sdelay $0x3  }
0x37: {  	[smem:$0x3FB9] =	sst s10  }
0x38: {  	s10 =	sld [smem:$0x3FBA]  }
0x39: {  	_ = 	snop;
	(pc) =	sbr.ind lr, $3  }
0x3a: {  	_ = 	snop  }
0x3b: {  	_ = 	snop  }
0x3c: {  	p2 =	seq.s32 s10, $0x1;
	s10 =	sld [smem:$0x3FB9]  }
0x3d: {  	_ =	shalt  }
0x3e: {  	_ =	shalt  }
0x3f: {  	_ =	shalt  }
0x40: {  	_ =	shalt  }
0x41: {  	_ =	shalt  }
0x42: {  	_ =	shalt  }
0x43: {  	_ =	shalt  }
0x44: {  	_ =	shalt  }
0x45: {  	_ =	shalt  }
0x46: {  	_ =	shalt  }
0x47: {  	_ =	shalt  }
0x48: {  	_ =	shalt  }
0x49: {  	_ =	shalt  }
0x4a: {  	_ =	shalt  }
0x4b: {  	_ =	shalt  }
0x4c: {  	_ =	shalt  }
0x4d: {  	_ =	shalt  }
0x4e: {  	_ =	shalt  }
0x4f: {  	_ =	shalt  }
0x50: {  	_ =	shalt  }
0x51: {  	_ =	shalt  }
0x52: {  	_ =	shalt  }
0x53: {  	_ =	shalt  }
0x54: {  	_ =	shalt  }
0x55: {  	_ =	shalt  }
0x56: {  	_ =	shalt  }
0x57: {  	_ =	shalt  }
0x58: {  	_ =	shalt  }
0x59: {  	_ =	shalt  }
0x5a: {  	_ =	shalt  }
0x5b: {  	_ =	shalt  }
0x5c: {  	_ =	shalt  }
0x5d: {  	_ =	shalt  }
0x5e: {  	_ =	shalt  }
0x5f: {  	_ =	shalt  }
0x60: {  	_ =	shalt  }
0x61: {  	_ =	shalt  }
0x62: {  	_ =	shalt  }
0x63: {  	_ =	shalt  }
0x64: {  	_ =	shalt  }
0x65: {  	_ =	shalt  }
0x66: {  	_ =	shalt  }
0x67: {  	_ =	shalt  }
0x68: {  	_ =	shalt  }
0x69: {  	_ =	shalt  }
0x6a: {  	_ =	shalt  }
0x6b: {  	_ =	shalt  }
0x6c: {  	_ =	shalt  }
0x6d: {  	_ =	shalt  }
0x6e: {  	_ =	shalt  }
0x6f: {  	_ =	shalt  }
0x70: {  	_ =	shalt  }
0x71: {  	_ =	shalt  }
0x72: {  	_ =	shalt  }
0x73: {  	_ =	shalt  }
0x74: {  	_ =	shalt  }
0x75: {  	_ =	shalt  }
0x76: {  	_ =	shalt  }
0x77: {  	_ =	shalt  }
0x78: {  	_ =	shalt  }
0x79: {  	_ =	shalt  }
0x7a: {  	_ =	shalt  }
0x7b: {  	_ =	shalt  }
0x7c: {  	_ =	shalt  }
0x7d: {  	_ =	shalt  }
0x7e: {  	_ =	shalt  }
0x7f: {  	_ =	shalt  }
0x80: {  	_ =	shalt  }
0x81: {  	_ =	shalt  }
0x82: {  	_ =	shalt  }
0x83: {  	_ =	shalt  }
0x84: {  	_ =	shalt  }
0x85: {  	_ =	shalt  }
0x86: {  	_ =	shalt  }
0x87: {  	_ =	shalt  }
.Lfunc_end0:
.L_simem_size_0:
called_computation_lowered:
.L_overlay_start_0:
0x88: {  	s2 =	sld [smem:$0x3FD9]  }
0x89: {  	s3 =	sld [smem:$0x3FFE];
	_ =	sdelay $0x1  }
0x8a: {  	s1 =	srdreg.scid  }
0x8b: {  	s0 =	sand.u32 $0x1, s1  }
0x8c: {  	s18 =	sshll.u32 s0, $0xA;
	s2 =	sadd.s32 s3, s2  }
0x8d: {  	s2 =	sadd.s32 s2, s18  }
0x8e: {  	[smem:$0x3FC5] =	sst s2  }
0x8f: {  	_ = 	snop  }
0x90: {  	s2 =	sld [smem:$0x3FC9]  }
0x91: {  	s19 =	sld [smem:$0x3FC8]  }
0x92: {  	s4 =	sld [smem:$0x3FC7]  }
0x93: {  	s5 =	sld [smem:$0x3FD0];
	(tm) =	ssettm $0x1  }
0x94: {  	s6 =	sld [smem:$0x3FFB];
	_ =	sdelay $0x3  }
0x95: {  	_ =	strace s6  }
0x96: {  	s6 =	sld [smem:$0x3FFC];
	_ =	sdelay $0x3  }
0x97: {  	_ =	strace s6  }
0x98: {  	s6 =	sld [smem:$0x3FFD];
	_ =	sdelay $0x3  }
0x99: {  	_ =	strace s6  }
0x9a: {  	_ =	strace $0x8FFFFFFF  }
0x9b: {  	s20 =	sld [smem:$0x3FDB];
	_ =	sdelay $0x1  }
0x9c: {  	s7 =	simm.s32 $_scs_section_size  }
0x9d: {  	s8 =	simm.s32 $_size__tile_overlayer_lowered;
	s9 =	simm.s32 $_tile_overlayer_lowered  }
0x9e: {  	s23 =	simm.s32 $0x1BFF;
	s22 =	sshll.u32 s9, $0x1;
	s6 =	sadd.s32 s7, s20  }
0x9f: {  	s10 =	simm.s32 $0x0;
	s21 =	sshll.u32 s8, $0x1;
	s8 =	sadd.s32 s22, s6  }
0xa0: {  	[timem:s10], [sflag:s23] =	dma.local [hbm:s8], s21  }
0xa1: {  	_ =	swait.ge [sflag:s23], s21  }
0xa2: {  	s7 =	ssub.s32 $0x0, s21;
	[sflag:s23] =	ssyncset.done $0x0  }
0xa3: {  	[sflag:s23] =	ssyncadd.s32 s7;
	_ =	sdelay $0x1  }
0xa4: {  	s24 =	simm.s32 $0x1B8B  }
0xa5: {  	_ =	swait.ge [sflag:s24], $0x1  }
0xa6: {  	[sflag:s24] =	ssyncset.done $0x0  }
0xa7: {  	s25 =	simm.s32 $0x1B8E;
	[sflag:s24] =	ssyncadd.s32 $0xFFFFFFFF  }
0xa8: {  	s26 =	simm.s32 $execute0_lowered;
	[smem:$0x3FD2] =	sst s25  }
0xa9: {  	s7 =	sshll.u32 s26, $0x1;
	_ =	strace $0x80000046;
	[dreg:$0x1] =	wrdreg $0xFFFFFFFF  }
0xaa: {  	s28 =	simm.s32 $_size_execute0_lowered;
	s6 =	sadd.s32 s6, s7;
	[dreg:$0x0] =	wrdreg $0x0  }
0xab: {  	s7 =	sshll.u32 s28, $0x1;
	[dreg:$0x2] =	wrdreg s6  }
0xac: {  	[dreg:$0x3] =	wrdreg s7  }
0xad: {  	[dreg:$0x4] =	wrdreg $0xC0  }
0xae: {  	_ =	task [dreg:s10], $0x5FFFF  }
0xaf: {  	[dreg:$0x1] =	wrdreg $0xFFFFFFFF  }
0xb0: {  	[dreg:$0x0] =	wrdreg $0x60  }
0xb1: {  	[dreg:$0x2] =	wrdreg s2  }
0xb2: {  	[dreg:$0x3] =	wrdreg s19  }
0xb3: {  	[dreg:$0x4] =	wrdreg s4  }
0xb4: {  	[dreg:$0x5] =	wrdreg s5  }
0xb5: {  	[dreg:$0x6] =	wrdreg $0x9  }
0xb6: {  	_ =	task.clear_ibuf [dreg:s10], $0x7FFFF;
	_ =	strace $0x90000046  }
0xb7: {  	s29 =	simm.s32 $0x9;
	_ =	strace $0x80000048  }
0xb8: {  	_ =	swait.ge [sflag:s29], $0x1  }
0xb9: {  	[sflag:s29] =	ssyncadd.s32 $0xFFFFFFFF  }
0xba: {  	_ =	strace $0x90000048  }
0xbb: {  	_ =	sfence  }
0xbc: {  	s30 =	sld [smem:$0x0];
	_ =	sdelay $0x2  }
0xbd: {  	s31 =	sshll.u32 s1, $0xD;
	s1 =	sshrl.u32 s1, $0x2  }
0xbe: {  	s3 =	sand.u32 $0x4000, s31;
	s1 =	sadd.s32 s1, s30  }
0xbf: {  	s0 =	sor.u32 s3, s0;
	s1 =	sshll.u32 s1, $0x11  }
0xc0: {  	s0 =	sor.u32 s1, s0  }
0xc1: {  	s0 =	sadd.s32 $0x8F2B, s0  }
0xc2: {  	[sflag:s0] =	ssyncadd.remote.s32 $0x1  }
0xc3: {  	_ =	sfence.sel $0xFFFF  }
0xc4: {  	[dreg:$0x0] =	wrdreg $0xFFFFFFFF;
	(pc) =	sbr.abs _section_cstart, $3  }
0xc5: {  	[dreg:$0x1] =	wrdreg $0xFFFFFFFF  }
0xc6: {  	_ =	task.clear_ibuf [dreg:s10], $0x2FFFF;
	_ =	strace $0x9FFFFFFF  }
0xc7: {  	(tm) =	ssettm $0x7FFFFFFF  }
tec
execute0_lowered:
.L_overlay_start_1:
0x0: {  	(tag) =	ssettag $0x1  }
0x1: {  	s5 =	rddreg [dreg:$0x0]  }
0x2: {  	s1 =	srdreg.scid;
	s4 =	rddreg [dreg:$0x1]  }
0x3: {  	s0 =	stileid.u32;
	s2 =	rddreg [dreg:$0x2]  }
0x4: {  	s7 =	rddreg [dreg:$0x3];
	s3 =	simm.s32 $0x0;
	s10 =	simm.s32 $0x3  }
0x5: {  	s11 =	simm.s32 $0x1;
	s6 =	sand.u32 $0x1, s1;
	s31 =	sshll.u32 s0, $0x1  }
0x6: {  	s12 =	simm.s32 $0x2;
	s13 =	simm.s32 $0x1980;
	s1 =	sor.u32 s6, s31  }
0x7: {  	s14 =	simm.s32 $0x1A00;
	s15 =	simm.s32 $0x4;
	s8 =	smul.u32 $0xC40, s1  }
0x8: {  	s16 =	simm.s32 $0x0;
	[smem:$0x7FF] =	sst s3;
	s6 =	ssub.s32 $0x2, s6  }
0x9: {  	s1 =	rddreg [dreg:$0x4];
	s9 =	sshrl.u32 s6, $0x1;
	s8 =	smin.u32 s8, $0x17A60  }
0xa: {  	_ =	strace $0x80000047;
	s9 =	ssub.s32 s6, s9;
	s8 =	sshrl.u32 s8, $0x3  }
0xb: {  	s4 =	sadd.s32 s4, s8;
	s5 =	sadd.s32 s5, s8;
	s6 =	sadd.s32 s7, s8  }
0xc: {  	v0 =	vimm.f32 $4.499999880e-01;
	s7 =	smax.u32 s9, $0x1;
	s8 =	simm.s32 $0xC80;
	s9 =	simm.s32 $0x1900  }
.LBB2_1:
0xd: {  	[tilespmem:s8], [sflag:$0x1] =	stream.linear.gather [hbm4b:s4+s3], $0xC40, $0x38;
	[tilespmem:$0x2680] =	vst v63  }
0xe: {  	_ = 	snop  }
0xf: {  	[tilespmem:s3], [sflag:$0x2] =	stream.linear.gather [hbm4b:s5+s3], $0xC40, $0x38;
	[tilespmem:$0x2680] =	vst v63  }
0x10: {  	_ = 	snop  }
0x11: {  	[tilespmem:s9], [sflag:$0x3] =	stream.linear.gather [hbm4b:s2+s3], $0x77, $0x38;
	[tilespmem:$0x2680] =	vst v63  }
0x12: {  	_ =	swait.ge [sflag:s10], $0x77  }
0x13: {  	[sflag:s10] =	ssyncset.done $0x0  }
0x14: {  	[sflag:s10] =	ssyncadd.s32 $0xFFFFFF89  }
0x15: {  	v1 =	vld [tilespmem:$0x1900];
	_ =	sdelay $0x2  }
0x16: {  	v2 =	vld [tilespmem:$0x1910];
	_ =	sdelay $0x1  }
0x17: {  	vm0 =	vlt.f32 v1, $1.799999950e+00  }
0x18: {  	vm1 =	vlt.f32 v1, $4.499999880e-01;
	v4 =	vmul.f32 $5.000000000e-01, v1;
	v3 =	vsel vm0, $0x3F800000, v0  }
0x19: {  	v1 =	vsel vm1, $0x3FE66666, v3  }
0x1a: {  	vm14 =	vlt.f32 v2, $1.799999950e+00;
	v3 =	vmul.f32 v1, v4  }
0x1b: {  	vm15 =	vlt.f32 v2, $4.499999880e-01;
	v6 =	vmul.f32 $5.000000000e-01, v2;
	v5 =	vsel vm14, $0x3F800000, v0  }
0x1c: {  	v2 =	vmul.f32 v3, v1;
	v3 =	vsel vm15, $0x3FE66666, v5  }
0x1d: {  	v5 =	vmul.f32 v3, v6  }
0x1e: {  	v2 =	vsub.f32 $1.500000000e+00, v2  }
0x1f: {  	v5 =	vmul.f32 v5, v3  }
0x20: {  	v1 =	vmul.f32 v2, v1  }
0x21: {  	v2 =	vsub.f32 $1.500000000e+00, v5  }
0x22: {  	v5 =	vmul.f32 v1, v4  }
0x23: {  	v2 =	vmul.f32 v2, v3  }
0x24: {  	v3 =	vmul.f32 v5, v1  }
0x25: {  	v5 =	vmul.f32 v2, v6  }
0x26: {  	v3 =	vsub.f32 $1.500000000e+00, v3  }
0x27: {  	v5 =	vmul.f32 v5, v2  }
0x28: {  	v1 =	vmul.f32 v3, v1  }
0x29: {  	v3 =	vsub.f32 $1.500000000e+00, v5  }
0x2a: {  	v5 =	vmul.f32 v1, v4  }
0x2b: {  	v2 =	vmul.f32 v3, v2  }
0x2c: {  	v3 =	vmul.f32 v5, v1  }
0x2d: {  	v5 =	vmul.f32 v2, v6  }
0x2e: {  	v3 =	vsub.f32 $1.500000000e+00, v3  }
0x2f: {  	v5 =	vmul.f32 v5, v2  }
0x30: {  	v3 =	vmul.f32 v3, v1  }
0x31: {  	v1 =	vsub.f32 $1.500000000e+00, v5;
	v5 =	vld [tilespmem:$0x1920]  }
0x32: {  	v7 =	vmul.f32 v3, v4  }
0x33: {  	v8 =	vmul.f32 v1, v2;
	v2 =	vld [tilespmem:$0x1930]  }
0x34: {  	v1 =	vmul.f32 v7, v3  }
0x35: {  	v7 =	vmul.f32 v8, v6  }
0x36: {  	v9 =	vsub.f32 $1.500000000e+00, v1;
	vm4 =	vlt.f32 v5, $1.799999950e+00  }
0x37: {  	vm5 =	vlt.f32 v5, $4.499999880e-01;
	v7 =	vmul.f32 v7, v8;
	v1 =	vsel vm4, $0x3F800000, v0  }
0x38: {  	v10 =	vsel vm5, $0x3FE66666, v1;
	v1 =	vmul.f32 $5.000000000e-01, v5;
	vm6 =	vlt.f32 v2, $1.799999950e+00  }
0x39: {  	vm7 =	vlt.f32 v2, $4.499999880e-01;
	v2 =	vmul.f32 $5.000000000e-01, v2;
	v5 =	vsel vm6, $0x3F800000, v0  }
0x3a: {  	v7 =	vsub.f32 $1.500000000e+00, v7;
	v11 =	vmul.f32 v10, v1;
	v5 =	vsel vm7, $0x3FE66666, v5  }
0x3b: {  	v3 =	vmul.f32 v9, v3;
	v9 =	vmul.f32 v5, v2  }
0x3c: {  	v7 =	vmul.f32 v7, v8;
	v8 =	vmul.f32 v11, v10  }
0x3d: {  	v11 =	vmul.f32 v3, v4;
	v9 =	vmul.f32 v9, v5  }
0x3e: {  	v12 =	vmul.f32 v7, v6  }
0x3f: {  	v8 =	vsub.f32 $1.500000000e+00, v8;
	v11 =	vmul.f32 v11, v3;
	v9 =	vsub.f32 $1.500000000e+00, v9  }
0x40: {  	v12 =	vmul.f32 v12, v7  }
0x41: {  	v13 =	vld [tilespmem:$0x1960];
	v8 =	vmul.f32 v8, v10;
	v10 =	vsub.f32 $1.500000000e+00, v11;
	v5 =	vmul.f32 v9, v5;
	_ =	sdelay $0x1  }
0x42: {  	v9 =	vsub.f32 $1.500000000e+00, v12;
	v3 =	vmul.f32 v10, v3;
	v10 =	vmul.f32 v5, v2  }
0x43: {  	v11 =	vmul.f32 v8, v1  }
0x44: {  	v7 =	vmul.f32 v9, v7;
	v10 =	vmul.f32 v10, v5  }
0x45: {  	vm12 =	vlt.f32 v13, $1.799999950e+00;
	v9 =	vmul.f32 v11, v8;
	v4 =	vmul.f32 v3, v4  }
0x46: {  	vm13 =	vlt.f32 v13, $4.499999880e-01;
	v11 =	vld [tilespmem:$0x1940];
	v6 =	vmul.f32 v7, v6;
	v10 =	vsub.f32 $1.500000000e+00, v10  }
0x47: {  	v13 =	vmul.f32 $5.000000000e-01, v13;
	v9 =	vsub.f32 $1.500000000e+00, v9;
	v4 =	vmul.f32 v4, v3  }
0x48: {  	v6 =	vmul.f32 v6, v7;
	v5 =	vmul.f32 v10, v5  }
0x49: {  	v17 =	vsel vm12, $0x3F800000, v0;
	v8 =	vmul.f32 v9, v8;
	v4 =	vsub.f32 $1.500000000e+00, v4;
	v9 =	vld [tilespmem:$0x1950]  }
0x4a: {  	v17 =	vsel vm13, $0x3FE66666, v17;
	v6 =	vsub.f32 $1.500000000e+00, v6;
	v12 =	vmul.f32 v5, v2  }
0x4b: {  	vm8 =	vlt.f32 v11, $1.799999950e+00;
	v10 =	vmul.f32 v8, v1;
	v4 =	vmul.f32 v4, v3  }
0x4c: {  	vm9 =	vlt.f32 v11, $4.499999880e-01;
	v3 =	vmul.f32 v6, v7;
	v7 =	vmul.f32 v12, v5;
	v12 =	vld [tilespmem:$0x1970]  }
0x4d: {  	v11 =	vmul.f32 $5.000000000e-01, v11;
	v6 =	vmul.f32 v10, v8;
	v10 =	vsel vm8, $0x3F800000, v0  }
0x4e: {  	v10 =	vsel vm9, $0x3FE66666, v10;
	vm10 =	vlt.f32 v9, $1.799999950e+00;
	vm11 =	vlt.f32 v9, $4.499999880e-01  }
0x4f: {  	v9 =	vmul.f32 $5.000000000e-01, v9;
	v14 =	vsel vm10, $0x3F800000, v0;
	v15 =	vmul.f32 v10, v11  }
0x50: {  	v19 =	vmul.f32 v17, v13;
	v14 =	vsel vm11, $0x3FE66666, v14  }
0x51: {  	v16 =	vmul.f32 v14, v9;
	v15 =	vmul.f32 v15, v10;
	vm14 =	vlt.f32 v12, $1.799999950e+00  }
0x52: {  	vm15 =	vlt.f32 v12, $4.499999880e-01;
	v12 =	vmul.f32 $5.000000000e-01, v12;
	v18 =	vsel vm14, $0x3F800000, v0  }
0x53: {  	v6 =	vsub.f32 $1.500000000e+00, v6;
	v16 =	vmul.f32 v16, v14;
	v18 =	vsel vm15, $0x3FE66666, v18  }
0x54: {  	v19 =	vmul.f32 v19, v17;
	v15 =	vsub.f32 $1.500000000e+00, v15;
	v20 =	vmul.f32 v18, v12  }
0x55: {  	v7 =	vsub.f32 $1.500000000e+00, v7;
	v6 =	vmul.f32 v6, v8;
	v16 =	vsub.f32 $1.500000000e+00, v16  }
0x56: {  	v8 =	vmul.f32 v15, v10;
	v20 =	vmul.f32 v20, v18  }
0x57: {  	v5 =	vmul.f32 v7, v5;
	v10 =	vsub.f32 $1.500000000e+00, v19;
	v7 =	vmul.f32 v16, v14  }
0x58: {  	v43 =	vmul.f32 v6, v1;
	v15 =	vmul.f32 v8, v11;
	v14 =	vsub.f32 $1.500000000e+00, v20  }
0x59: {  	v10 =	vmul.f32 v10, v17;
	v16 =	vmul.f32 v7, v9  }
0x5a: {  	v15 =	vmul.f32 v15, v8;
	v14 =	vmul.f32 v14, v18  }
0x5b: {  	v17 =	vmul.f32 v10, v13;
	v16 =	vmul.f32 v16, v7  }
0x5c: {  	v19 =	vmul.f32 v43, v6;
	v15 =	vsub.f32 $1.500000000e+00, v15;
	v18 =	vmul.f32 v14, v12  }
0x5d: {  	v44 =	vmul.f32 v5, v2;
	v17 =	vmul.f32 v17, v10;
	v16 =	vsub.f32 $1.500000000e+00, v16  }
0x5e: {  	v19 =	vsub.f32 $1.500000000e+00, v19;
	v8 =	vmul.f32 v15, v8;
	v18 =	vmul.f32 v18, v14  }
0x5f: {  	v45 =	vmul.f32 v44, v5;
	v15 =	vsub.f32 $1.500000000e+00, v17;
	v7 =	vmul.f32 v16, v7  }
0x60: {  	v6 =	vmul.f32 v19, v6;
	v47 =	vmul.f32 v8, v11;
	v46 =	vsub.f32 $1.500000000e+00, v18  }
0x61: {  	v10 =	vmul.f32 v15, v10;
	v15 =	vmul.f32 v7, v9  }
0x62: {  	v48 =	vmul.f32 v47, v8;
	v14 =	vmul.f32 v46, v14  }
0x63: {  	v17 =	vsub.f32 $1.500000000e+00, v45;
	v49 =	vmul.f32 v10, v13;
	v15 =	vmul.f32 v15, v7  }
0x64: {  	v19 =	vmul.f32 v6, v1;
	v16 =	vsub.f32 $1.500000000e+00, v48;
	v50 =	vmul.f32 v14, v12  }
0x65: {  	v5 =	vmul.f32 v17, v5;
	v18 =	vmul.f32 v49, v10;
	v15 =	vsub.f32 $1.500000000e+00, v15  }
0x66: {  	v8 =	vmul.f32 v16, v8;
	v20 =	vmul.f32 v50, v14  }
0x67: {  	v19 =	vmul.f32 v19, v6;
	v51 =	vsub.f32 $1.500000000e+00, v18;
	v7 =	vmul.f32 v15, v7  }
0x68: {  	v56 =	vmul.f32 v5, v2;
	v52 =	vmul.f32 v8, v11;
	v15 =	vsub.f32 $1.500000000e+00, v20  }
0x69: {  	v10 =	vmul.f32 v51, v10;
	v53 =	vmul.f32 v7, v9  }
0x6a: {  	v14 =	vmul.f32 v15, v14;
	v15 =	vmul.f32 v52, v8  }
0x6b: {  	v54 =	vmul.f32 v10, v13;
	v16 =	vmul.f32 v53, v7  }
0x6c: {  	v19 =	vsub.f32 $1.500000000e+00, v19;
	v55 =	vmul.f32 v14, v12;
	v15 =	vsub.f32 $1.500000000e+00, v15  }
0x6d: {  	v57 =	vmul.f32 v56, v5;
	v17 =	vmul.f32 v54, v10;
	v16 =	vsub.f32 $1.500000000e+00, v16  }
0x6e: {  	v18 =	vmul.f32 v55, v14;
	v8 =	vmul.f32 v15, v8  }
0x6f: {  	v6 =	vmul.f32 v19, v6;
	v7 =	vmul.f32 v16, v7;
	v15 =	vsub.f32 $1.500000000e+00, v17  }
0x70: {  	v17 =	vsub.f32 $1.500000000e+00, v57;
	v58 =	vsub.f32 $1.500000000e+00, v18;
	v59 =	vmul.f32 v8, v11  }
0x71: {  	v10 =	vmul.f32 v15, v10;
	v15 =	vmul.f32 v7, v9  }
0x72: {  	v5 =	vmul.f32 v17, v5;
	v14 =	vmul.f32 v58, v14  }
0x73: {  	v60 =	vmul.f32 v59, v8;
	v61 =	vmul.f32 v10, v13  }
0x74: {  	v15 =	vmul.f32 v15, v7;
	v62 =	vmul.f32 v14, v12  }
0x75: {  	v1 =	vmul.f32 v6, v1;
	v18 =	vmul.f32 v61, v10;
	v16 =	vsub.f32 $1.500000000e+00, v60  }
0x76: {  	v2 =	vmul.f32 v5, v2;
	v15 =	vsub.f32 $1.500000000e+00, v15;
	v20 =	vmul.f32 v62, v14  }
0x77: {  	v1 =	vmul.f32 v1, v6;
	v63 =	vsub.f32 $1.500000000e+00, v18;
	v8 =	vmul.f32 v16, v8  }
0x78: {  	v2 =	vmul.f32 v2, v5;
	v7 =	vmul.f32 v15, v7;
	v15 =	vsub.f32 $1.500000000e+00, v20  }
0x79: {  	v10 =	vmul.f32 v63, v10;
	v11 =	vmul.f32 v8, v11  }
0x7a: {  	v9 =	vmul.f32 v7, v9;
	v14 =	vmul.f32 v15, v14  }
0x7b: {  	v1 =	vsub.f32 $1.500000000e+00, v1;
	v11 =	vmul.f32 v11, v8;
	v13 =	vmul.f32 v10, v13  }
0x7c: {  	v2 =	vsub.f32 $1.500000000e+00, v2;
	v9 =	vmul.f32 v9, v7;
	v12 =	vmul.f32 v14, v12  }
0x7d: {  	[tilespmem:$0x1980] =	vst v4;
	v1 =	vmul.f32 v1, v6;
	v4 =	vsub.f32 $1.500000000e+00, v11;
	v6 =	vmul.f32 v13, v10  }
0x7e: {  	[tilespmem:$0x1990] =	vst v3;
	v2 =	vmul.f32 v2, v5;
	v3 =	vsub.f32 $1.500000000e+00, v9;
	v5 =	vmul.f32 v12, v14  }
0x7f: {  	[tilespmem:$0x19A0] =	vst v1;
	v1 =	vmul.f32 v4, v8;
	v4 =	vsub.f32 $1.500000000e+00, v6  }
0x80: {  	[tilespmem:$0x19B0] =	vst v2;
	v2 =	vmul.f32 v3, v7;
	v3 =	vsub.f32 $1.500000000e+00, v5  }
0x81: {  	[tilespmem:$0x19C0] =	vst v1;
	v1 =	vmul.f32 v4, v10  }
0x82: {  	[tilespmem:$0x19D0] =	vst v2;
	v2 =	vmul.f32 v3, v14  }
0x83: {  	[tilespmem:$0x19E0] =	vst v1  }
0x84: {  	[tilespmem:$0x19F0] =	vst v2  }
0x85: {  	_ =	swait.ge [sflag:s11], $0xC40  }
0x86: {  	[sflag:s11] =	ssyncset.done $0x0  }
0x87: {  	[sflag:s11] =	ssyncadd.s32 $0xFFFFF3C0  }
0x88: {  	_ =	swait.ge [sflag:s12], $0xC40  }
0x89: {  	[sflag:s12] =	ssyncset.done $0x0  }
0x8a: {  	s17 =	simm.s32 $0xCC0;
	[sflag:s12] =	ssyncadd.s32 $0xFFFFF3C0  }
0x8b: {  	v1 =	vld [tilespmem:s17+$0x30]  }
0x8c: {  	v2 =	vld [tilespmem:s17+$0xFFFFFFD0]  }
0x8d: {  	v3 =	vld [tilespmem:s17+$0xFFFFFFE0]  }
0x8e: {  	v4 =	vld [tilespmem:s17+$0xFFFFFFF0]  }
0x8f: {  	v6 =	vld [tilespmem:s17+$0x0]  }
0x90: {  	v7 =	vld [tilespmem:s17+$0x10]  }
0x91: {  	v8 =	vld [tilespmem:s17+$0x20]  }
0x92: {  	s21 =	simm.s32 $0x40;
	v9 =	vld [tilespmem:s17+$0xFFFFFFC0]  }
0x93: {  	v12 =	vld [tilespmem:s21+$0x30]  }
0x94: {  	v14 =	vld [tilespmem:s21+$0xFFFFFFC0]  }
0x95: {  	v15 =	vld [tilespmem:s21+$0xFFFFFFD0]  }
0x96: {  	v10 =	vld [tilespmem:s21+$0xFFFFFFE0]  }
0x97: {  	v11 =	vld.idx.msk [tilespmem:v1+s13+$0x0], $0xffff  }
0x98: {  	v13 =	vld.idx.msk [tilespmem:v2+s13+$0x0], $0xffff  }
0x99: {  	v5 =	vld.idx.msk [tilespmem:v3+s13+$0x0], $0xffff  }
0x9a: {  	v4 =	vld.idx.msk [tilespmem:v4+s13+$0x0], $0xffff  }
0x9b: {  	v3 =	vld.idx.msk [tilespmem:v6+s13+$0x0], $0xffff  }
0x9c: {  	v9 =	vld.idx.msk [tilespmem:v9+s13+$0x0], $0xffff  }
0x9d: {  	v1 =	vld.idx.msk [tilespmem:v7+s13+$0x0], $0xffff  }
0x9e: {  	v2 =	vld.idx.msk [tilespmem:v8+s13+$0x0], $0xffff  }
0x9f: {  	v7 =	vld [tilespmem:s21+$0xFFFFFFF0]  }
0xa0: {  	s22 =	simm.s32 $0x1A40;
	v6 =	vld [tilespmem:s21+$0x0];
	v11 =	vmul.f32 v12, v11  }
0xa1: {  	s23 =	simm.s32 $0x0;
	s18 =	simm.s32 $0xBF0;
	s19 =	simm.s32 $0x2600;
	v8 =	vld [tilespmem:s21+$0x10];
	v12 =	vmul.f32 v14, v9  }
0xa2: {  	s20 =	simm.s32 $0xC00;
	s24 =	simm.s32 $0xD40;
	s17 =	simm.s32 $0x1880;
	v9 =	vld [tilespmem:s21+$0x20];
	[tilespmem:s22+$0x30] =	vst v11;
	v11 =	vmul.f32 v15, v13  }
.LBB2_2:
0xa3: {  	v13 =	vld [tilespmem:s24+$0x30];
	s23 =	sadd.s32 $0x80, s23;
	[tilespmem:s22+$0xFFFFFFC0] =	vst v12;
	v5 =	vmul.f32 v10, v5  }
0xa4: {  	v10 =	vld [tilespmem:s24+$0xFFFFFFD0];
	p0 =	slt.u32 s23, $0xB80;
	[tilespmem:s22+$0xFFFFFFD0] =	vst v11;
	v4 =	vmul.f32 v7, v4  }
0xa5: {  	v7 =	vld [tilespmem:s24+$0xFFFFFFE0];
	[tilespmem:s22+$0xFFFFFFE0] =	vst v5;
	v3 =	vmul.f32 v6, v3  }
0xa6: {  	v6 =	vld [tilespmem:s24+$0xFFFFFFF0];
	[tilespmem:s22+$0xFFFFFFF0] =	vst v4;
	v1 =	vmul.f32 v8, v1  }
0xa7: {  	v8 =	vld [tilespmem:s24+$0x0];
	[tilespmem:s22+$0x0] =	vst v3;
	v2 =	vmul.f32 v9, v2  }
0xa8: {  	v9 =	vld [tilespmem:s24+$0x10];
	[tilespmem:s22+$0x10] =	vst v1  }
0xa9: {  	v11 =	vld [tilespmem:s24+$0x20];
	[tilespmem:s22+$0x20] =	vst v2  }
0xaa: {  	v2 =	vld [tilespmem:s24+$0xFFFFFFC0]  }
0xab: {  	s21 =	sadd.s32 $0x80, s21;
	v12 =	vld.idx.msk [tilespmem:v13+s13+$0x0], $0xffff  }
0xac: {  	v13 =	vld [tilespmem:s21+$0x30]  }
0xad: {  	v14 =	vld.idx.msk [tilespmem:v10+s13+$0x0], $0xffff  }
0xae: {  	v5 =	vld.idx.msk [tilespmem:v7+s13+$0x0], $0xffff  }
0xaf: {  	v4 =	vld.idx.msk [tilespmem:v6+s13+$0x0], $0xffff  }
0xb0: {  	v3 =	vld.idx.msk [tilespmem:v8+s13+$0x0], $0xffff  }
0xb1: {  	v1 =	vld.idx.msk [tilespmem:v9+s13+$0x0], $0xffff;
	v6 =	vmul.f32 v13, v12  }
0xb2: {  	s22 =	sadd.s32 $0x80, s22;
	v8 =	vld.idx.msk [tilespmem:v2+s13+$0x0], $0xffff  }
0xb3: {  	v2 =	vld.idx.msk [tilespmem:v11+s13+$0x0], $0xffff;
	[tilespmem:s22+$0x30] =	vst v6  }
0xb4: {  	v9 =	vld [tilespmem:s21+$0xFFFFFFC0]  }
0xb5: {  	v11 =	vld [tilespmem:s21+$0xFFFFFFD0]  }
.Ltmp0:
0xb6: {  	v10 =	vld [tilespmem:s21+$0xFFFFFFE0];
	(pc) =	sbr.rel @p0 .LBB2_2-.Ltmp0, $4  }
0xb7: {  	v7 =	vld [tilespmem:s21+$0xFFFFFFF0]  }
0xb8: {  	v6 =	vld [tilespmem:s21+$0x0]  }
0xb9: {  	v12 =	vmul.f32 v9, v8;
	v8 =	vld [tilespmem:s21+$0x10]  }
0xba: {  	s24 =	sadd.s32 $0x80, s24;
	v11 =	vmul.f32 v11, v14;
	v9 =	vld [tilespmem:s21+$0x20]  }
0xbb: {  	[tilespmem:s22+$0xFFFFFFC0] =	vst v12;
	v5 =	vmul.f32 v10, v5  }
0xbc: {  	[tilespmem:s22+$0xFFFFFFD0] =	vst v11;
	v4 =	vmul.f32 v7, v4  }
0xbd: {  	[tilespmem:s22+$0xFFFFFFE0] =	vst v5;
	v3 =	vmul.f32 v6, v3  }
0xbe: {  	[tilespmem:s22+$0xFFFFFFF0] =	vst v4;
	v1 =	vmul.f32 v8, v1  }
0xbf: {  	[tilespmem:s22+$0x0] =	vst v3;
	v2 =	vmul.f32 v9, v2  }
0xc0: {  	[tilespmem:s22+$0x10] =	vst v1  }
0xc1: {  	[tilespmem:s22+$0x20] =	vst v2  }
.LBB2_4:
0xc2: {  	v1 =	vld [tilespmem:s17+$0x0];
	_ =	sdelay $0x6  }
0xc3: {  	v2 =	vld [tilespmem:s20+$0x0]  }
0xc4: {  	v1 =	vld.idx.msk [tilespmem:v1+s13+$0x0], $0xffff  }
0xc5: {  	s18 =	sadd.s32 $0x10, s18  }
0xc6: {  	p0 =	slt.u32 s18, $0xC30  }
.Ltmp1:
0xc7: {  	_ = 	snop;
	(pc) =	sbr.rel @p0 .LBB2_4-.Ltmp1, $3  }
0xc8: {  	_ = 	snop  }
0xc9: {  	v1 =	vmul.f32 v2, v1;
	_ =	sdelay $0x1  }
0xca: {  	s20 =	sadd.s32 $0x10, s20;
	s17 =	sadd.s32 $0x10, s17;
	[tilespmem:s19+$0x0] =	vst v1;
	s19 =	sadd.s32 $0x10, s19  }
0xcb: {  	s16 =	sadd.s32 $0x1, s16  }
0xcc: {  	p0 =	sne.s32 s16, s7  }
.Ltmp2:
0xcd: {  	_ = 	snop;
	(pc) =	sbr.rel @p0 .LBB2_1-.Ltmp2, $4  }
0xce: {  	[hbm4b:s6+s3] =	stream.linear.scatter [tilespmem:s14], [sflag:$0x4], $0xC40, $0x38;
	[tilespmem:$0x2680] =	vst v63  }
0xcf: {  	_ =	swait.ge [sflag:s15], $0xC40  }
0xd0: {  	[sflag:s15] =	ssyncset.done $0x0  }
0xd1: {  	[sflag:s15] =	ssyncadd.s32 $0xFFFFF3C0  }
0xd2: {  	_ =	sfence.sel $0x180000  }
0xd3: {  	[bflag:$0x0] =	sbarrier.arrive $0xFFFF  }
0xd4: {  	p0 =	sne.s32 s0, $0x0;
	_ =	strace $0x90000047  }
0xd5: {  	s0 =	sadd.s32 @!p0 $0x100000, s1;
	[bflag:$0x2] =	sbarrier.arrive $0xFFFF  }
0xd6: {  	[sflag:s0] =	ssyncadd.tile.s32 @!p0 $0x1;
	_ =	shalt  }
.Lfunc_end2:
_tile_overlayer_lowered:
.L_overlay_start_2:
0xd7: {  	(tag) =	ssettag $0x2  }
0xd8: {  	s0 =	rddreg [dreg:$0x0];
	s2 =	stileid.u32  }
0xd9: {  	s1 =	rddreg [dreg:$0x1];
	p0 =	sne.s32 s2, $0x0  }
0xda: {  	s3 =	rddreg [dreg:$0x2];
	[bflag:$0x3] =	sbarrier.arrive $0xFFFF;
	s2 =	simm.s32 @!p0 $0x1C04  }
0xdb: {  	[timem:s3], [sflag:s2] =	dma.local @!p0 [hbm:s0], s1  }
0xdc: {  	s0 =	simm.s32 @!p0 $0x4  }
0xdd: {  	_ =	swait.ge @!p0 [sflag:s0], s1  }
0xde: {  	s1 =	ssub.s32 @!p0 $0x0, s1;
	[sflag:s0] =	ssyncset.done @!p0 $0x0  }
0xdf: {  	[sflag:s0] =	ssyncadd.s32 @!p0 s1  }
0xe0: {  	[bflag:$0x3] =	sbarrier.arrive $0xFFFF  }
0xe1: {  	_ =	shalt  }

</sc_bundles>
